<compile_context>
chip_gen: v7x
topology: tpu7x:2x2x1
jax: 0.10.2.dev20260603
libtpu: 0.0.44.dev20260713+nightly
codegen_flags: <defaults>
</compile_context>

<pallas_src>
import functools

import jax
import jax.numpy as jnp
from jax import lax
from jax.experimental import pallas as pl
from jax.experimental.pallas import tpu as pltpu
from jax.experimental.pallas import tpu_sc as plsc

F = 26
D = 16
FD = F * D
P = (F * (F - 1)) // 2
OUT_W = FD + P
B = 16384
NW = 32
ROWS_PER_W = B // NW
CHUNK = 64
GROUPS = CHUNK // 16
NCHUNK = ROWS_PER_W // CHUNK


def _sc_body(x_hbm, out_hbm, in_buf, out_buf):
    info = plsc.get_sparse_core_info()
    nc = info.num_cores
    wid = lax.axis_index("s") * nc + lax.axis_index("c")
    lane = lax.iota(jnp.int32, 16)

    def chunk_body(c, carry):
        rowbase = wid * ROWS_PER_W + c * CHUNK
        pltpu.sync_copy(x_hbm.at[pl.ds(rowbase * FD, CHUNK * FD)], in_buf)

        def group_body(g, carry2):
            rowvec = lane + g * 16
            inbase = rowvec * FD
            outbase = rowvec * OUT_W

            def copy_body(w, cc):
                for d in range(16):
                    off = w * 16 + d
                    v = plsc.load_gather(in_buf, [inbase + off])
                    plsc.store_scatter(out_buf, [outbase + off], v)
                return cc

            lax.fori_loop(0, F, copy_body, 0)

            def i_body(i, ci):
                vi = [plsc.load_gather(in_buf, [inbase + i * 16 + d])
                      for d in range(16)]
                pbase = FD + i * 24 - (i * (i - 1)) // 2 - 1

                def j_body(j, cj):
                    acc = vi[0] * plsc.load_gather(in_buf, [inbase + j * 16])
                    for d in range(1, 16):
                        acc = acc + vi[d] * plsc.load_gather(
                            in_buf, [inbase + j * 16 + d])
                    plsc.store_scatter(out_buf, [outbase + pbase + j], acc)
                    return cj

                lax.fori_loop(i + 1, F, j_body, 0)
                return ci

            lax.fori_loop(0, F - 1, i_body, 0)
            return carry2

        lax.fori_loop(0, GROUPS, group_body, 0)
        pltpu.sync_copy(out_buf, out_hbm.at[pl.ds(rowbase * OUT_W, CHUNK * OUT_W)])
        return carry

    lax.fori_loop(0, NCHUNK, chunk_body, 0)


@jax.jit
def _run(xf):
    mesh = plsc.VectorSubcoreMesh(core_axis_name="c", subcore_axis_name="s")
    return pl.kernel(
        _sc_body,
        mesh=mesh,
        out_type=jax.ShapeDtypeStruct((B * OUT_W,), jnp.float32),
        scratch_types=[
            pltpu.VMEM((CHUNK * FD,), jnp.float32),
            pltpu.VMEM((CHUNK * OUT_W,), jnp.float32),
        ],
        compiler_params=pltpu.CompilerParams(needs_layout_passes=False),
    )(xf)


def kernel(x):
    xf = x.reshape(-1)
    out = _run(xf)
    return out.reshape(B, OUT_W)

# --- scband reference (transcript-rebuilt; emitter-appended) ---
"""Pipeline reference for scband-inner-products-76098230550706 (READ-ONLY COPY).

The authoritative reference and input builder live on the scoring server;
editing this copy changes nothing except your own understanding.
"""

import jax, jax.numpy as jnp
import numpy as np

NUM_INPUTS = 26
EMBED_DIM = 16
BATCH = 16384


def _pair_indices(num_inputs):
    row, col = [], []
    for i in range(num_inputs - 1):
        for j in range(i + 1, num_inputs):
            row.append(i)
            col.append(j)
    return jnp.asarray(np.array(row, dtype=np.int32)), jnp.asarray(np.array(col, dtype=np.int32))


def setup_inputs(seed: int = 0) -> dict:
    key = jax.random.key(seed)
    x = jax.random.normal(key, (BATCH, NUM_INPUTS, EMBED_DIM), dtype=jnp.float32)
    return {"x": x}


def reference(x):
    num_inputs = NUM_INPUTS
    embedding_dim = EMBED_DIM
    row, col = _pair_indices(num_inputs)
    # gather field embeddings for each (i, j) pair along the field axis
    p = jnp.take(x, row, axis=1)  # [B, P, D]
    q = jnp.take(x, col, axis=1)  # [B, P, D]
    ip = jnp.sum(p * q, axis=-1)  # [B, P] pairwise inner products
    x_flat = x.reshape(-1, num_inputs * embedding_dim)  # [B, F*D]
    out = jnp.concatenate([x_flat, ip], axis=1)  # [B, F*D + P]
    return out

if __name__ == "__main__":
    import jax
    _d = setup_inputs()
    print(jax.jit(kernel)(*tuple(_d.values())))

</pallas_src>

<mosaic_0001>
#map = affine_map<(d0, d1) -> (0)>
module attributes {stable_mosaic.version = 14 : i64} {
  func.func @_sc_body(%arg0: i32, %arg1: i32, %arg2: memref<6815744xf32, #tpu.memory_space<hbm>>, %arg3: memref<12140544xf32, #tpu.memory_space<hbm>>, %arg4: memref<26624xf32, #tpu.memory_space<vmem>>, %arg5: memref<47424xf32, #tpu.memory_space<vmem>>) attributes {dimension_semantics = [#tpu.dimension_semantics<core_parallel>, #tpu.dimension_semantics<subcore_parallel>], iteration_bounds = array<i64: 2, 16>, scalar_prefetch = 0 : i64, scratch_operands = 2 : i64, tpu.core_type = #tpu.core_type<sc_vector_subcore>, window_params = [{transform_indices = #map}, {transform_indices = #map}]} {
    %mul3A = arith.constant 2 : i32
    %mul3A_0 = arith.muli %arg1, %mul3A : i32
    %add3A = arith.addi %mul3A_0, %arg0 : i32
    %iota3A = tpu.iota {dimensions = array<i32: 0>} : vector<16xi32>
    %scan3A = arith.constant 0 : i32
    %scan3A_1 = arith.constant 0 : i32
    %scan3A_2 = arith.constant 8 : i32
    %scan3A_3 = arith.addi %scan3A_1, %scan3A_2 : i32
    %scan3A_4 = arith.constant 1 : i32
    scf.for %scan3A_6 = %scan3A_1 to %scan3A_3 step %scan3A_4  : i32 {
      %mul3A_7 = arith.constant 512 : i32
      %mul3A_8 = arith.muli %add3A, %mul3A_7 : i32
      %mul3A_9 = arith.constant 64 : i32
      %mul3A_10 = arith.muli %scan3A_6, %mul3A_9 : i32
      %add3A_11 = arith.addi %mul3A_8, %mul3A_10 : i32
      %mul3A_12 = arith.constant 416 : i32
      %mul3A_13 = arith.muli %add3A_11, %mul3A_12 : i32
      "tpu.region"() ({
        %run_scoped3A = tpu.sem_alloc : memref<!tpu.dma_semaphore, #tpu.memory_space<semaphore_mem>>
        %dma_start3A = tpu.memref_slice %arg2[%mul3A_13] : memref<6815744xf32, #tpu.memory_space<hbm>> -> memref<26624xf32, #tpu.memory_space<hbm>>
        %dma_start3A_22 = tpu.memref_slice %arg2[%mul3A_13] : memref<6815744xf32, #tpu.memory_space<hbm>> -> memref<26624xf32, #tpu.memory_space<hbm>>
        tpu.enqueue_dma source(%dma_start3A_22 : memref<26624xf32, #tpu.memory_space<hbm>>) target(%arg4 : memref<26624xf32, #tpu.memory_space<vmem>>) target_semaphore(%run_scoped3A : memref<!tpu.dma_semaphore, #tpu.memory_space<semaphore_mem>>)
        %dma_wait3A = tpu.memref_slice %arg2[%mul3A_13] : memref<6815744xf32, #tpu.memory_space<hbm>> -> memref<26624xf32, #tpu.memory_space<hbm>>
        %dma_wait3A_23 = tpu.memref_slice %arg2[%mul3A_13] : memref<6815744xf32, #tpu.memory_space<hbm>> -> memref<26624xf32, #tpu.memory_space<hbm>>
        tpu.wait_dma2 semaphore(%run_scoped3A : memref<!tpu.dma_semaphore, #tpu.memory_space<semaphore_mem>>) src(%dma_wait3A_23 : memref<26624xf32, #tpu.memory_space<hbm>>) dst(%arg4 : memref<26624xf32, #tpu.memory_space<vmem>>)
        tpu.yield
      }) : () -> ()
      %scan3A_14 = arith.constant 0 : i32
      %scan3A_15 = arith.constant 0 : i32
      %scan3A_16 = arith.constant 4 : i32
      %scan3A_17 = arith.addi %scan3A_15, %scan3A_16 : i32
      %scan3A_18 = arith.constant 1 : i32
      scf.for %scan3A_22 = %scan3A_15 to %scan3A_17 step %scan3A_18  : i32 {
        %mul3A_23 = arith.constant 16 : i32
        %mul3A_24 = arith.muli %scan3A_22, %mul3A_23 : i32
        %add3A_25 = vector.broadcast %mul3A_24 : i32 to vector<16xi32>
        %add3A_26 = arith.addi %iota3A, %add3A_25 : vector<16xi32>
        %mul3A_27 = arith.constant 416 : i32
        %mul3A_28 = vector.broadcast %mul3A_27 : i32 to vector<16xi32>
        %mul3A_29 = arith.muli %add3A_26, %mul3A_28 : vector<16xi32>
        %mul3A_30 = arith.constant 741 : i32
        %mul3A_31 = vector.broadcast %mul3A_30 : i32 to vector<16xi32>
        %mul3A_32 = arith.muli %add3A_26, %mul3A_31 : vector<16xi32>
        %scan3A_33 = arith.constant 0 : i32
        %scan3A_34 = arith.constant 0 : i32
        %scan3A_35 = arith.constant 26 : i32
        %scan3A_36 = arith.addi %scan3A_34, %scan3A_35 : i32
        %scan3A_37 = arith.constant 1 : i32
        scf.for %scan3A_45 = %scan3A_34 to %scan3A_36 step %scan3A_37  : i32 {
          %mul3A_46 = arith.constant 16 : i32
          %mul3A_47 = arith.muli %scan3A_45, %mul3A_46 : i32
          %add3A_48 = arith.constant 0 : i32
          %add3A_49 = arith.addi %mul3A_47, %add3A_48 : i32
          %add3A_50 = vector.broadcast %add3A_49 : i32 to vector<16xi32>
          %add3A_51 = arith.addi %mul3A_29, %add3A_50 : vector<16xi32>
          %gather3A = tpu.vector_load_idx %arg4[%add3A_51] : memref<26624xf32, #tpu.memory_space<vmem>>[vector<16xi32>], vector<16xf32>,
          %add3A_52 = vector.broadcast %add3A_49 : i32 to vector<16xi32>
          %add3A_53 = arith.addi %mul3A_32, %add3A_52 : vector<16xi32>
          tpu.vector_store_idx %arg5[%add3A_53], %gather3A : memref<47424xf32, #tpu.memory_space<vmem>>[vector<16xi32>], vector<16xf32>,
          %mul3A_54 = arith.constant 16 : i32
          %mul3A_55 = arith.muli %scan3A_45, %mul3A_54 : i32
          %add3A_56 = arith.constant 1 : i32
          %add3A_57 = arith.addi %mul3A_55, %add3A_56 : i32
          %add3A_58 = vector.broadcast %add3A_57 : i32 to vector<16xi32>
          %add3A_59 = arith.addi %mul3A_29, %add3A_58 : vector<16xi32>
          %gather3A_60 = tpu.vector_load_idx %arg4[%add3A_59] : memref<26624xf32, #tpu.memory_space<vmem>>[vector<16xi32>], vector<16xf32>,
          %add3A_61 = vector.broadcast %add3A_57 : i32 to vector<16xi32>
          %add3A_62 = arith.addi %mul3A_32, %add3A_61 : vector<16xi32>
          tpu.vector_store_idx %arg5[%add3A_62], %gather3A_60 : memref<47424xf32, #tpu.memory_space<vmem>>[vector<16xi32>], vector<16xf32>,
          %mul3A_63 = arith.constant 16 : i32
          %mul3A_64 = arith.muli %scan3A_45, %mul3A_63 : i32
          %add3A_65 = arith.constant 2 : i32
          %add3A_66 = arith.addi %mul3A_64, %add3A_65 : i32
          %add3A_67 = vector.broadcast %add3A_66 : i32 to vector<16xi32>
          %add3A_68 = arith.addi %mul3A_29, %add3A_67 : vector<16xi32>
          %gather3A_69 = tpu.vector_load_idx %arg4[%add3A_68] : memref<26624xf32, #tpu.memory_space<vmem>>[vector<16xi32>], vector<16xf32>,
          %add3A_70 = vector.broadcast %add3A_66 : i32 to vector<16xi32>
          %add3A_71 = arith.addi %mul3A_32, %add3A_70 : vector<16xi32>
          tpu.vector_store_idx %arg5[%add3A_71], %gather3A_69 : memref<47424xf32, #tpu.memory_space<vmem>>[vector<16xi32>], vector<16xf32>,
          %mul3A_72 = arith.constant 16 : i32
          %mul3A_73 = arith.muli %scan3A_45, %mul3A_72 : i32
          %add3A_74 = arith.constant 3 : i32
          %add3A_75 = arith.addi %mul3A_73, %add3A_74 : i32
          %add3A_76 = vector.broadcast %add3A_75 : i32 to vector<16xi32>
          %add3A_77 = arith.addi %mul3A_29, %add3A_76 : vector<16xi32>
          %gather3A_78 = tpu.vector_load_idx %arg4[%add3A_77] : memref<26624xf32, #tpu.memory_space<vmem>>[vector<16xi32>], vector<16xf32>,
          %add3A_79 = vector.broadcast %add3A_75 : i32 to vector<16xi32>
          %add3A_80 = arith.addi %mul3A_32, %add3A_79 : vector<16xi32>
          tpu.vector_store_idx %arg5[%add3A_80], %gather3A_78 : memref<47424xf32, #tpu.memory_space<vmem>>[vector<16xi32>], vector<16xf32>,
          %mul3A_81 = arith.constant 16 : i32
          %mul3A_82 = arith.muli %scan3A_45, %mul3A_81 : i32
          %add3A_83 = arith.constant 4 : i32
          %add3A_84 = arith.addi %mul3A_82, %add3A_83 : i32
          %add3A_85 = vector.broadcast %add3A_84 : i32 to vector<16xi32>
          %add3A_86 = arith.addi %mul3A_29, %add3A_85 : vector<16xi32>
          %gather3A_87 = tpu.vector_load_idx %arg4[%add3A_86] : memref<26624xf32, #tpu.memory_space<vmem>>[vector<16xi32>], vector<16xf32>,
          %add3A_88 = vector.broadcast %add3A_84 : i32 to vector<16xi32>
          %add3A_89 = arith.addi %mul3A_32, %add3A_88 : vector<16xi32>
          tpu.vector_store_idx %arg5[%add3A_89], %gather3A_87 : memref<47424xf32, #tpu.memory_space<vmem>>[vector<16xi32>], vector<16xf32>,
          %mul3A_90 = arith.constant 16 : i32
          %mul3A_91 = arith.muli %scan3A_45, %mul3A_90 : i32
          %add3A_92 = arith.constant 5 : i32
          %add3A_93 = arith.addi %mul3A_91, %add3A_92 : i32
          %add3A_94 = vector.broadcast %add3A_93 : i32 to vector<16xi32>
          %add3A_95 = arith.addi %mul3A_29, %add3A_94 : vector<16xi32>
          %gather3A_96 = tpu.vector_load_idx %arg4[%add3A_95] : memref<26624xf32, #tpu.memory_space<vmem>>[vector<16xi32>], vector<16xf32>,
          %add3A_97 = vector.broadcast %add3A_93 : i32 to vector<16xi32>
          %add3A_98 = arith.addi %mul3A_32, %add3A_97 : vector<16xi32>
          tpu.vector_store_idx %arg5[%add3A_98], %gather3A_96 : memref<47424xf32, #tpu.memory_space<vmem>>[vector<16xi32>], vector<16xf32>,
          %mul3A_99 = arith.constant 16 : i32
          %mul3A_100 = arith.muli %scan3A_45, %mul3A_99 : i32
          %add3A_101 = arith.constant 6 : i32
          %add3A_102 = arith.addi %mul3A_100, %add3A_101 : i32
          %add3A_103 = vector.broadcast %add3A_102 : i32 to vector<16xi32>
          %add3A_104 = arith.addi %mul3A_29, %add3A_103 : vector<16xi32>
          %gather3A_105 = tpu.vector_load_idx %arg4[%add3A_104] : memref<26624xf32, #tpu.memory_space<vmem>>[vector<16xi32>], vector<16xf32>,
          %add3A_106 = vector.broadcast %add3A_102 : i32 to vector<16xi32>
          %add3A_107 = arith.addi %mul3A_32, %add3A_106 : vector<16xi32>
          tpu.vector_store_idx %arg5[%add3A_107], %gather3A_105 : memref<47424xf32, #tpu.memory_space<vmem>>[vector<16xi32>], vector<16xf32>,
          %mul3A_108 = arith.constant 16 : i32
          %mul3A_109 = arith.muli %scan3A_45, %mul3A_108 : i32
          %add3A_110 = arith.constant 7 : i32
          %add3A_111 = arith.addi %mul3A_109, %add3A_110 : i32
          %add3A_112 = vector.broadcast %add3A_111 : i32 to vector<16xi32>
          %add3A_113 = arith.addi %mul3A_29, %add3A_112 : vector<16xi32>
          %gather3A_114 = tpu.vector_load_idx %arg4[%add3A_113] : memref<26624xf32, #tpu.memory_space<vmem>>[vector<16xi32>], vector<16xf32>,
          %add3A_115 = vector.broadcast %add3A_111 : i32 to vector<16xi32>
          %add3A_116 = arith.addi %mul3A_32, %add3A_115 : vector<16xi32>
          tpu.vector_store_idx %arg5[%add3A_116], %gather3A_114 : memref<47424xf32, #tpu.memory_space<vmem>>[vector<16xi32>], vector<16xf32>,
          %mul3A_117 = arith.constant 16 : i32
          %mul3A_118 = arith.muli %scan3A_45, %mul3A_117 : i32
          %add3A_119 = arith.constant 8 : i32
          %add3A_120 = arith.addi %mul3A_118, %add3A_119 : i32
          %add3A_121 = vector.broadcast %add3A_120 : i32 to vector<16xi32>
          %add3A_122 = arith.addi %mul3A_29, %add3A_121 : vector<16xi32>
          %gather3A_123 = tpu.vector_load_idx %arg4[%add3A_122] : memref<26624xf32, #tpu.memory_space<vmem>>[vector<16xi32>], vector<16xf32>,
          %add3A_124 = vector.broadcast %add3A_120 : i32 to vector<16xi32>
          %add3A_125 = arith.addi %mul3A_32, %add3A_124 : vector<16xi32>
          tpu.vector_store_idx %arg5[%add3A_125], %gather3A_123 : memref<47424xf32, #tpu.memory_space<vmem>>[vector<16xi32>], vector<16xf32>,
          %mul3A_126 = arith.constant 16 : i32
          %mul3A_127 = arith.muli %scan3A_45, %mul3A_126 : i32
          %add3A_128 = arith.constant 9 : i32
          %add3A_129 = arith.addi %mul3A_127, %add3A_128 : i32
          %add3A_130 = vector.broadcast %add3A_129 : i32 to vector<16xi32>
          %add3A_131 = arith.addi %mul3A_29, %add3A_130 : vector<16xi32>
          %gather3A_132 = tpu.vector_load_idx %arg4[%add3A_131] : memref<26624xf32, #tpu.memory_space<vmem>>[vector<16xi32>], vector<16xf32>,
          %add3A_133 = vector.broadcast %add3A_129 : i32 to vector<16xi32>
          %add3A_134 = arith.addi %mul3A_32, %add3A_133 : vector<16xi32>
          tpu.vector_store_idx %arg5[%add3A_134], %gather3A_132 : memref<47424xf32, #tpu.memory_space<vmem>>[vector<16xi32>], vector<16xf32>,
          %mul3A_135 = arith.constant 16 : i32
          %mul3A_136 = arith.muli %scan3A_45, %mul3A_135 : i32
          %add3A_137 = arith.constant 10 : i32
          %add3A_138 = arith.addi %mul3A_136, %add3A_137 : i32
          %add3A_139 = vector.broadcast %add3A_138 : i32 to vector<16xi32>
          %add3A_140 = arith.addi %mul3A_29, %add3A_139 : vector<16xi32>
          %gather3A_141 = tpu.vector_load_idx %arg4[%add3A_140] : memref<26624xf32, #tpu.memory_space<vmem>>[vector<16xi32>], vector<16xf32>,
          %add3A_142 = vector.broadcast %add3A_138 : i32 to vector<16xi32>
          %add3A_143 = arith.addi %mul3A_32, %add3A_142 : vector<16xi32>
          tpu.vector_store_idx %arg5[%add3A_143], %gather3A_141 : memref<47424xf32, #tpu.memory_space<vmem>>[vector<16xi32>], vector<16xf32>,
          %mul3A_144 = arith.constant 16 : i32
          %mul3A_145 = arith.muli %scan3A_45, %mul3A_144 : i32
          %add3A_146 = arith.constant 11 : i32
          %add3A_147 = arith.addi %mul3A_145, %add3A_146 : i32
          %add3A_148 = vector.broadcast %add3A_147 : i32 to vector<16xi32>
          %add3A_149 = arith.addi %mul3A_29, %add3A_148 : vector<16xi32>
          %gather3A_150 = tpu.vector_load_idx %arg4[%add3A_149] : memref<26624xf32, #tpu.memory_space<vmem>>[vector<16xi32>], vector<16xf32>,
          %add3A_151 = vector.broadcast %add3A_147 : i32 to vector<16xi32>
          %add3A_152 = arith.addi %mul3A_32, %add3A_151 : vector<16xi32>
          tpu.vector_store_idx %arg5[%add3A_152], %gather3A_150 : memref<47424xf32, #tpu.memory_space<vmem>>[vector<16xi32>], vector<16xf32>,
          %mul3A_153 = arith.constant 16 : i32
          %mul3A_154 = arith.muli %scan3A_45, %mul3A_153 : i32
          %add3A_155 = arith.constant 12 : i32
          %add3A_156 = arith.addi %mul3A_154, %add3A_155 : i32
          %add3A_157 = vector.broadcast %add3A_156 : i32 to vector<16xi32>
          %add3A_158 = arith.addi %mul3A_29, %add3A_157 : vector<16xi32>
          %gather3A_159 = tpu.vector_load_idx %arg4[%add3A_158] : memref<26624xf32, #tpu.memory_space<vmem>>[vector<16xi32>], vector<16xf32>,
          %add3A_160 = vector.broadcast %add3A_156 : i32 to vector<16xi32>
          %add3A_161 = arith.addi %mul3A_32, %add3A_160 : vector<16xi32>
          tpu.vector_store_idx %arg5[%add3A_161], %gather3A_159 : memref<47424xf32, #tpu.memory_space<vmem>>[vector<16xi32>], vector<16xf32>,
          %mul3A_162 = arith.constant 16 : i32
          %mul3A_163 = arith.muli %scan3A_45, %mul3A_162 : i32
          %add3A_164 = arith.constant 13 : i32
          %add3A_165 = arith.addi %mul3A_163, %add3A_164 : i32
          %add3A_166 = vector.broadcast %add3A_165 : i32 to vector<16xi32>
          %add3A_167 = arith.addi %mul3A_29, %add3A_166 : vector<16xi32>
          %gather3A_168 = tpu.vector_load_idx %arg4[%add3A_167] : memref<26624xf32, #tpu.memory_space<vmem>>[vector<16xi32>], vector<16xf32>,
          %add3A_169 = vector.broadcast %add3A_165 : i32 to vector<16xi32>
          %add3A_170 = arith.addi %mul3A_32, %add3A_169 : vector<16xi32>
          tpu.vector_store_idx %arg5[%add3A_170], %gather3A_168 : memref<47424xf32, #tpu.memory_space<vmem>>[vector<16xi32>], vector<16xf32>,
          %mul3A_171 = arith.constant 16 : i32
          %mul3A_172 = arith.muli %scan3A_45, %mul3A_171 : i32
          %add3A_173 = arith.constant 14 : i32
          %add3A_174 = arith.addi %mul3A_172, %add3A_173 : i32
          %add3A_175 = vector.broadcast %add3A_174 : i32 to vector<16xi32>
          %add3A_176 = arith.addi %mul3A_29, %add3A_175 : vector<16xi32>
          %gather3A_177 = tpu.vector_load_idx %arg4[%add3A_176] : memref<26624xf32, #tpu.memory_space<vmem>>[vector<16xi32>], vector<16xf32>,
          %add3A_178 = vector.broadcast %add3A_174 : i32 to vector<16xi32>
          %add3A_179 = arith.addi %mul3A_32, %add3A_178 : vector<16xi32>
          tpu.vector_store_idx %arg5[%add3A_179], %gather3A_177 : memref<47424xf32, #tpu.memory_space<vmem>>[vector<16xi32>], vector<16xf32>,
          %mul3A_180 = arith.constant 16 : i32
          %mul3A_181 = arith.muli %scan3A_45, %mul3A_180 : i32
          %add3A_182 = arith.constant 15 : i32
          %add3A_183 = arith.addi %mul3A_181, %add3A_182 : i32
          %add3A_184 = vector.broadcast %add3A_183 : i32 to vector<16xi32>
          %add3A_185 = arith.addi %mul3A_29, %add3A_184 : vector<16xi32>
          %gather3A_186 = tpu.vector_load_idx %arg4[%add3A_185] : memref<26624xf32, #tpu.memory_space<vmem>>[vector<16xi32>], vector<16xf32>,
          %add3A_187 = vector.broadcast %add3A_183 : i32 to vector<16xi32>
          %add3A_188 = arith.addi %mul3A_32, %add3A_187 : vector<16xi32>
          tpu.vector_store_idx %arg5[%add3A_188], %gather3A_186 : memref<47424xf32, #tpu.memory_space<vmem>>[vector<16xi32>], vector<16xf32>,
        }
        %scan3A_38 = arith.constant 26 : i32
        %scan3A_39 = arith.constant 0 : i32
        %scan3A_40 = arith.constant 0 : i32
        %scan3A_41 = arith.constant 25 : i32
        %scan3A_42 = arith.addi %scan3A_40, %scan3A_41 : i32
        %scan3A_43 = arith.constant 1 : i32
        scf.for %scan3A_45 = %scan3A_40 to %scan3A_42 step %scan3A_43  : i32 {
          %mul3A_46 = arith.constant 16 : i32
          %mul3A_47 = arith.muli %scan3A_45, %mul3A_46 : i32
          %add3A_48 = vector.broadcast %mul3A_47 : i32 to vector<16xi32>
          %add3A_49 = arith.addi %mul3A_29, %add3A_48 : vector<16xi32>
          %add3A_50 = arith.constant 0 : i32
          %add3A_51 = vector.broadcast %add3A_50 : i32 to vector<16xi32>
          %add3A_52 = arith.addi %add3A_49, %add3A_51 : vector<16xi32>
          %gather3A = tpu.vector_load_idx %arg4[%add3A_52] : memref<26624xf32, #tpu.memory_space<vmem>>[vector<16xi32>], vector<16xf32>,
          %mul3A_53 = arith.constant 16 : i32
          %mul3A_54 = arith.muli %scan3A_45, %mul3A_53 : i32
          %add3A_55 = vector.broadcast %mul3A_54 : i32 to vector<16xi32>
          %add3A_56 = arith.addi %mul3A_29, %add3A_55 : vector<16xi32>
          %add3A_57 = arith.constant 1 : i32
          %add3A_58 = vector.broadcast %add3A_57 : i32 to vector<16xi32>
          %add3A_59 = arith.addi %add3A_56, %add3A_58 : vector<16xi32>
          %gather3A_60 = tpu.vector_load_idx %arg4[%add3A_59] : memref<26624xf32, #tpu.memory_space<vmem>>[vector<16xi32>], vector<16xf32>,
          %mul3A_61 = arith.constant 16 : i32
          %mul3A_62 = arith.muli %scan3A_45, %mul3A_61 : i32
          %add3A_63 = vector.broadcast %mul3A_62 : i32 to vector<16xi32>
          %add3A_64 = arith.addi %mul3A_29, %add3A_63 : vector<16xi32>
          %add3A_65 = arith.constant 2 : i32
          %add3A_66 = vector.broadcast %add3A_65 : i32 to vector<16xi32>
          %add3A_67 = arith.addi %add3A_64, %add3A_66 : vector<16xi32>
          %gather3A_68 = tpu.vector_load_idx %arg4[%add3A_67] : memref<26624xf32, #tpu.memory_space<vmem>>[vector<16xi32>], vector<16xf32>,
          %mul3A_69 = arith.constant 16 : i32
          %mul3A_70 = arith.muli %scan3A_45, %mul3A_69 : i32
          %add3A_71 = vector.broadcast %mul3A_70 : i32 to vector<16xi32>
          %add3A_72 = arith.addi %mul3A_29, %add3A_71 : vector<16xi32>
          %add3A_73 = arith.constant 3 : i32
          %add3A_74 = vector.broadcast %add3A_73 : i32 to vector<16xi32>
          %add3A_75 = arith.addi %add3A_72, %add3A_74 : vector<16xi32>
          %gather3A_76 = tpu.vector_load_idx %arg4[%add3A_75] : memref<26624xf32, #tpu.memory_space<vmem>>[vector<16xi32>], vector<16xf32>,
          %mul3A_77 = arith.constant 16 : i32
          %mul3A_78 = arith.muli %scan3A_45, %mul3A_77 : i32
          %add3A_79 = vector.broadcast %mul3A_78 : i32 to vector<16xi32>
          %add3A_80 = arith.addi %mul3A_29, %add3A_79 : vector<16xi32>
          %add3A_81 = arith.constant 4 : i32
          %add3A_82 = vector.broadcast %add3A_81 : i32 to vector<16xi32>
          %add3A_83 = arith.addi %add3A_80, %add3A_82 : vector<16xi32>
          %gather3A_84 = tpu.vector_load_idx %arg4[%add3A_83] : memref<26624xf32, #tpu.memory_space<vmem>>[vector<16xi32>], vector<16xf32>,
          %mul3A_85 = arith.constant 16 : i32
          %mul3A_86 = arith.muli %scan3A_45, %mul3A_85 : i32
          %add3A_87 = vector.broadcast %mul3A_86 : i32 to vector<16xi32>
          %add3A_88 = arith.addi %mul3A_29, %add3A_87 : vector<16xi32>
          %add3A_89 = arith.constant 5 : i32
          %add3A_90 = vector.broadcast %add3A_89 : i32 to vector<16xi32>
          %add3A_91 = arith.addi %add3A_88, %add3A_90 : vector<16xi32>
          %gather3A_92 = tpu.vector_load_idx %arg4[%add3A_91] : memref<26624xf32, #tpu.memory_space<vmem>>[vector<16xi32>], vector<16xf32>,
          %mul3A_93 = arith.constant 16 : i32
          %mul3A_94 = arith.muli %scan3A_45, %mul3A_93 : i32
          %add3A_95 = vector.broadcast %mul3A_94 : i32 to vector<16xi32>
          %add3A_96 = arith.addi %mul3A_29, %add3A_95 : vector<16xi32>
          %add3A_97 = arith.constant 6 : i32
          %add3A_98 = vector.broadcast %add3A_97 : i32 to vector<16xi32>
          %add3A_99 = arith.addi %add3A_96, %add3A_98 : vector<16xi32>
          %gather3A_100 = tpu.vector_load_idx %arg4[%add3A_99] : memref<26624xf32, #tpu.memory_space<vmem>>[vector<16xi32>], vector<16xf32>,
          %mul3A_101 = arith.constant 16 : i32
          %mul3A_102 = arith.muli %scan3A_45, %mul3A_101 : i32
          %add3A_103 = vector.broadcast %mul3A_102 : i32 to vector<16xi32>
          %add3A_104 = arith.addi %mul3A_29, %add3A_103 : vector<16xi32>
          %add3A_105 = arith.constant 7 : i32
          %add3A_106 = vector.broadcast %add3A_105 : i32 to vector<16xi32>
          %add3A_107 = arith.addi %add3A_104, %add3A_106 : vector<16xi32>
          %gather3A_108 = tpu.vector_load_idx %arg4[%add3A_107] : memref<26624xf32, #tpu.memory_space<vmem>>[vector<16xi32>], vector<16xf32>,
          %mul3A_109 = arith.constant 16 : i32
          %mul3A_110 = arith.muli %scan3A_45, %mul3A_109 : i32
          %add3A_111 = vector.broadcast %mul3A_110 : i32 to vector<16xi32>
          %add3A_112 = arith.addi %mul3A_29, %add3A_111 : vector<16xi32>
          %add3A_113 = arith.constant 8 : i32
          %add3A_114 = vector.broadcast %add3A_113 : i32 to vector<16xi32>
          %add3A_115 = arith.addi %add3A_112, %add3A_114 : vector<16xi32>
          %gather3A_116 = tpu.vector_load_idx %arg4[%add3A_115] : memref<26624xf32, #tpu.memory_space<vmem>>[vector<16xi32>], vector<16xf32>,
          %mul3A_117 = arith.constant 16 : i32
          %mul3A_118 = arith.muli %scan3A_45, %mul3A_117 : i32
          %add3A_119 = vector.broadcast %mul3A_118 : i32 to vector<16xi32>
          %add3A_120 = arith.addi %mul3A_29, %add3A_119 : vector<16xi32>
          %add3A_121 = arith.constant 9 : i32
          %add3A_122 = vector.broadcast %add3A_121 : i32 to vector<16xi32>
          %add3A_123 = arith.addi %add3A_120, %add3A_122 : vector<16xi32>
          %gather3A_124 = tpu.vector_load_idx %arg4[%add3A_123] : memref<26624xf32, #tpu.memory_space<vmem>>[vector<16xi32>], vector<16xf32>,
          %mul3A_125 = arith.constant 16 : i32
          %mul3A_126 = arith.muli %scan3A_45, %mul3A_125 : i32
          %add3A_127 = vector.broadcast %mul3A_126 : i32 to vector<16xi32>
          %add3A_128 = arith.addi %mul3A_29, %add3A_127 : vector<16xi32>
          %add3A_129 = arith.constant 10 : i32
          %add3A_130 = vector.broadcast %add3A_129 : i32 to vector<16xi32>
          %add3A_131 = arith.addi %add3A_128, %add3A_130 : vector<16xi32>
          %gather3A_132 = tpu.vector_load_idx %arg4[%add3A_131] : memref<26624xf32, #tpu.memory_space<vmem>>[vector<16xi32>], vector<16xf32>,
          %mul3A_133 = arith.constant 16 : i32
          %mul3A_134 = arith.muli %scan3A_45, %mul3A_133 : i32
          %add3A_135 = vector.broadcast %mul3A_134 : i32 to vector<16xi32>
          %add3A_136 = arith.addi %mul3A_29, %add3A_135 : vector<16xi32>
          %add3A_137 = arith.constant 11 : i32
          %add3A_138 = vector.broadcast %add3A_137 : i32 to vector<16xi32>
          %add3A_139 = arith.addi %add3A_136, %add3A_138 : vector<16xi32>
          %gather3A_140 = tpu.vector_load_idx %arg4[%add3A_139] : memref<26624xf32, #tpu.memory_space<vmem>>[vector<16xi32>], vector<16xf32>,
          %mul3A_141 = arith.constant 16 : i32
          %mul3A_142 = arith.muli %scan3A_45, %mul3A_141 : i32
          %add3A_143 = vector.broadcast %mul3A_142 : i32 to vector<16xi32>
          %add3A_144 = arith.addi %mul3A_29, %add3A_143 : vector<16xi32>
          %add3A_145 = arith.constant 12 : i32
          %add3A_146 = vector.broadcast %add3A_145 : i32 to vector<16xi32>
          %add3A_147 = arith.addi %add3A_144, %add3A_146 : vector<16xi32>
          %gather3A_148 = tpu.vector_load_idx %arg4[%add3A_147] : memref<26624xf32, #tpu.memory_space<vmem>>[vector<16xi32>], vector<16xf32>,
          %mul3A_149 = arith.constant 16 : i32
          %mul3A_150 = arith.muli %scan3A_45, %mul3A_149 : i32
          %add3A_151 = vector.broadcast %mul3A_150 : i32 to vector<16xi32>
          %add3A_152 = arith.addi %mul3A_29, %add3A_151 : vector<16xi32>
          %add3A_153 = arith.constant 13 : i32
          %add3A_154 = vector.broadcast %add3A_153 : i32 to vector<16xi32>
          %add3A_155 = arith.addi %add3A_152, %add3A_154 : vector<16xi32>
          %gather3A_156 = tpu.vector_load_idx %arg4[%add3A_155] : memref<26624xf32, #tpu.memory_space<vmem>>[vector<16xi32>], vector<16xf32>,
          %mul3A_157 = arith.constant 16 : i32
          %mul3A_158 = arith.muli %scan3A_45, %mul3A_157 : i32
          %add3A_159 = vector.broadcast %mul3A_158 : i32 to vector<16xi32>
          %add3A_160 = arith.addi %mul3A_29, %add3A_159 : vector<16xi32>
          %add3A_161 = arith.constant 14 : i32
          %add3A_162 = vector.broadcast %add3A_161 : i32 to vector<16xi32>
          %add3A_163 = arith.addi %add3A_160, %add3A_162 : vector<16xi32>
          %gather3A_164 = tpu.vector_load_idx %arg4[%add3A_163] : memref<26624xf32, #tpu.memory_space<vmem>>[vector<16xi32>], vector<16xf32>,
          %mul3A_165 = arith.constant 16 : i32
          %mul3A_166 = arith.muli %scan3A_45, %mul3A_165 : i32
          %add3A_167 = vector.broadcast %mul3A_166 : i32 to vector<16xi32>
          %add3A_168 = arith.addi %mul3A_29, %add3A_167 : vector<16xi32>
          %add3A_169 = arith.constant 15 : i32
          %add3A_170 = vector.broadcast %add3A_169 : i32 to vector<16xi32>
          %add3A_171 = arith.addi %add3A_168, %add3A_170 : vector<16xi32>
          %gather3A_172 = tpu.vector_load_idx %arg4[%add3A_171] : memref<26624xf32, #tpu.memory_space<vmem>>[vector<16xi32>], vector<16xf32>,
          %mul3A_173 = arith.constant 24 : i32
          %mul3A_174 = arith.muli %scan3A_45, %mul3A_173 : i32
          %add3A_175 = arith.constant 416 : i32
          %add3A_176 = arith.addi %add3A_175, %mul3A_174 : i32
          %sub3A = arith.constant 1 : i32
          %sub3A_177 = arith.subi %scan3A_45, %sub3A : i32
          %mul3A_178 = arith.muli %scan3A_45, %sub3A_177 : i32
          %jit3A = arith.constant 2 : i32
          %div3A = arith.divsi %mul3A_178, %jit3A : i32
          %sign3A = arith.constant 0 : i32
          %sign3A_179 = arith.cmpi sgt, %mul3A_178, %sign3A : i32
          %sign3A_180 = arith.extui %sign3A_179 : i1 to i32
          %sign3A_181 = arith.constant 0 : i32
          %sign3A_182 = arith.cmpi slt, %mul3A_178, %sign3A_181 : i32
          %sign3A_183 = arith.extui %sign3A_182 : i1 to i32
          %sign3A_184 = arith.subi %sign3A_180, %sign3A_183 : i32
          %sign3A_185 = arith.constant 0 : i32
          %sign3A_186 = arith.cmpi sgt, %jit3A, %sign3A_185 : i32
          %sign3A_187 = arith.extui %sign3A_186 : i1 to i32
          %sign3A_188 = arith.constant 0 : i32
          %sign3A_189 = arith.cmpi slt, %jit3A, %sign3A_188 : i32
          %sign3A_190 = arith.extui %sign3A_189 : i1 to i32
          %sign3A_191 = arith.subi %sign3A_187, %sign3A_190 : i32
          %ne3A = arith.cmpi ne, %sign3A_184, %sign3A_191 : i32
          %rem3A = arith.remsi %mul3A_178, %jit3A : i32
          %ne3A_192 = arith.constant 0 : i32
          %ne3A_193 = arith.cmpi ne, %rem3A, %ne3A_192 : i32
          %and3A = arith.andi %ne3A, %ne3A_193 : i1
          %sub3A_194 = arith.constant 1 : i32
          %sub3A_195 = arith.subi %div3A, %sub3A_194 : i32
          %select_n3A = arith.select %and3A, %sub3A_195, %div3A : i32
          %sub3A_196 = arith.subi %add3A_176, %select_n3A : i32
          %sub3A_197 = arith.constant 1 : i32
          %sub3A_198 = arith.subi %sub3A_196, %sub3A_197 : i32
          %add3A_199 = arith.constant 1 : i32
          %add3A_200 = arith.addi %scan3A_45, %add3A_199 : i32
          %while3A = arith.constant 0 : i32
          %while3A_201 = arith.constant 26 : i32
          %while3A_202 = arith.subi %while3A_201, %add3A_200 : i32
          %while3A_203 = arith.addi %add3A_200, %while3A_202 : i32
          %while3A_204 = arith.constant 1 : i32
          %while3A_205 = arith.divsi %while3A_202, %while3A_204 : i32
          %while3A_206 = arith.muli %while3A_205, %while3A_204 : i32
          %while3A_207 = arith.addi %add3A_200, %while3A_206 : i32
          %while3A_208 = arith.constant 1 : i32
          scf.for %while3A_210 = %add3A_200 to %while3A_207 step %while3A_208  : i32 {
            %mul3A_211 = arith.constant 16 : i32
            %mul3A_212 = arith.muli %while3A_210, %mul3A_211 : i32
            %add3A_213 = vector.broadcast %mul3A_212 : i32 to vector<16xi32>
            %add3A_214 = arith.addi %mul3A_29, %add3A_213 : vector<16xi32>
            %gather3A_215 = tpu.vector_load_idx %arg4[%add3A_214] : memref<26624xf32, #tpu.memory_space<vmem>>[vector<16xi32>], vector<16xf32>,
            %mul3A_216 = arith.mulf %gather3A, %gather3A_215 : vector<16xf32>
            %mul3A_217 = arith.constant 16 : i32
            %mul3A_218 = arith.muli %while3A_210, %mul3A_217 : i32
            %add3A_219 = vector.broadcast %mul3A_218 : i32 to vector<16xi32>
            %add3A_220 = arith.addi %mul3A_29, %add3A_219 : vector<16xi32>
            %add3A_221 = arith.constant 1 : i32
            %add3A_222 = vector.broadcast %add3A_221 : i32 to vector<16xi32>
            %add3A_223 = arith.addi %add3A_220, %add3A_222 : vector<16xi32>
            %gather3A_224 = tpu.vector_load_idx %arg4[%add3A_223] : memref<26624xf32, #tpu.memory_space<vmem>>[vector<16xi32>], vector<16xf32>,
            %mul3A_225 = arith.mulf %gather3A_60, %gather3A_224 : vector<16xf32>
            %add3A_226 = arith.addf %mul3A_216, %mul3A_225 : vector<16xf32>
            %mul3A_227 = arith.constant 16 : i32
            %mul3A_228 = arith.muli %while3A_210, %mul3A_227 : i32
            %add3A_229 = vector.broadcast %mul3A_228 : i32 to vector<16xi32>
            %add3A_230 = arith.addi %mul3A_29, %add3A_229 : vector<16xi32>
            %add3A_231 = arith.constant 2 : i32
            %add3A_232 = vector.broadcast %add3A_231 : i32 to vector<16xi32>
            %add3A_233 = arith.addi %add3A_230, %add3A_232 : vector<16xi32>
            %gather3A_234 = tpu.vector_load_idx %arg4[%add3A_233] : memref<26624xf32, #tpu.memory_space<vmem>>[vector<16xi32>], vector<16xf32>,
            %mul3A_235 = arith.mulf %gather3A_68, %gather3A_234 : vector<16xf32>
            %add3A_236 = arith.addf %add3A_226, %mul3A_235 : vector<16xf32>
            %mul3A_237 = arith.constant 16 : i32
            %mul3A_238 = arith.muli %while3A_210, %mul3A_237 : i32
            %add3A_239 = vector.broadcast %mul3A_238 : i32 to vector<16xi32>
            %add3A_240 = arith.addi %mul3A_29, %add3A_239 : vector<16xi32>
            %add3A_241 = arith.constant 3 : i32
            %add3A_242 = vector.broadcast %add3A_241 : i32 to vector<16xi32>
            %add3A_243 = arith.addi %add3A_240, %add3A_242 : vector<16xi32>
            %gather3A_244 = tpu.vector_load_idx %arg4[%add3A_243] : memref<26624xf32, #tpu.memory_space<vmem>>[vector<16xi32>], vector<16xf32>,
            %mul3A_245 = arith.mulf %gather3A_76, %gather3A_244 : vector<16xf32>
            %add3A_246 = arith.addf %add3A_236, %mul3A_245 : vector<16xf32>
            %mul3A_247 = arith.constant 16 : i32
            %mul3A_248 = arith.muli %while3A_210, %mul3A_247 : i32
            %add3A_249 = vector.broadcast %mul3A_248 : i32 to vector<16xi32>
            %add3A_250 = arith.addi %mul3A_29, %add3A_249 : vector<16xi32>
            %add3A_251 = arith.constant 4 : i32
            %add3A_252 = vector.broadcast %add3A_251 : i32 to vector<16xi32>
            %add3A_253 = arith.addi %add3A_250, %add3A_252 : vector<16xi32>
            %gather3A_254 = tpu.vector_load_idx %arg4[%add3A_253] : memref<26624xf32, #tpu.memory_space<vmem>>[vector<16xi32>], vector<16xf32>,
            %mul3A_255 = arith.mulf %gather3A_84, %gather3A_254 : vector<16xf32>
            %add3A_256 = arith.addf %add3A_246, %mul3A_255 : vector<16xf32>
            %mul3A_257 = arith.constant 16 : i32
            %mul3A_258 = arith.muli %while3A_210, %mul3A_257 : i32
            %add3A_259 = vector.broadcast %mul3A_258 : i32 to vector<16xi32>
            %add3A_260 = arith.addi %mul3A_29, %add3A_259 : vector<16xi32>
            %add3A_261 = arith.constant 5 : i32
            %add3A_262 = vector.broadcast %add3A_261 : i32 to vector<16xi32>
            %add3A_263 = arith.addi %add3A_260, %add3A_262 : vector<16xi32>
            %gather3A_264 = tpu.vector_load_idx %arg4[%add3A_263] : memref<26624xf32, #tpu.memory_space<vmem>>[vector<16xi32>], vector<16xf32>,
            %mul3A_265 = arith.mulf %gather3A_92, %gather3A_264 : vector<16xf32>
            %add3A_266 = arith.addf %add3A_256, %mul3A_265 : vector<16xf32>
            %mul3A_267 = arith.constant 16 : i32
            %mul3A_268 = arith.muli %while3A_210, %mul3A_267 : i32
            %add3A_269 = vector.broadcast %mul3A_268 : i32 to vector<16xi32>
            %add3A_270 = arith.addi %mul3A_29, %add3A_269 : vector<16xi32>
            %add3A_271 = arith.constant 6 : i32
            %add3A_272 = vector.broadcast %add3A_271 : i32 to vector<16xi32>
            %add3A_273 = arith.addi %add3A_270, %add3A_272 : vector<16xi32>
            %gather3A_274 = tpu.vector_load_idx %arg4[%add3A_273] : memref<26624xf32, #tpu.memory_space<vmem>>[vector<16xi32>], vector<16xf32>,
            %mul3A_275 = arith.mulf %gather3A_100, %gather3A_274 : vector<16xf32>
            %add3A_276 = arith.addf %add3A_266, %mul3A_275 : vector<16xf32>
            %mul3A_277 = arith.constant 16 : i32
            %mul3A_278 = arith.muli %while3A_210, %mul3A_277 : i32
            %add3A_279 = vector.broadcast %mul3A_278 : i32 to vector<16xi32>
            %add3A_280 = arith.addi %mul3A_29, %add3A_279 : vector<16xi32>
            %add3A_281 = arith.constant 7 : i32
            %add3A_282 = vector.broadcast %add3A_281 : i32 to vector<16xi32>
            %add3A_283 = arith.addi %add3A_280, %add3A_282 : vector<16xi32>
            %gather3A_284 = tpu.vector_load_idx %arg4[%add3A_283] : memref<26624xf32, #tpu.memory_space<vmem>>[vector<16xi32>], vector<16xf32>,
            %mul3A_285 = arith.mulf %gather3A_108, %gather3A_284 : vector<16xf32>
            %add3A_286 = arith.addf %add3A_276, %mul3A_285 : vector<16xf32>
            %mul3A_287 = arith.constant 16 : i32
            %mul3A_288 = arith.muli %while3A_210, %mul3A_287 : i32
            %add3A_289 = vector.broadcast %mul3A_288 : i32 to vector<16xi32>
            %add3A_290 = arith.addi %mul3A_29, %add3A_289 : vector<16xi32>
            %add3A_291 = arith.constant 8 : i32
            %add3A_292 = vector.broadcast %add3A_291 : i32 to vector<16xi32>
            %add3A_293 = arith.addi %add3A_290, %add3A_292 : vector<16xi32>
            %gather3A_294 = tpu.vector_load_idx %arg4[%add3A_293] : memref<26624xf32, #tpu.memory_space<vmem>>[vector<16xi32>], vector<16xf32>,
            %mul3A_295 = arith.mulf %gather3A_116, %gather3A_294 : vector<16xf32>
            %add3A_296 = arith.addf %add3A_286, %mul3A_295 : vector<16xf32>
            %mul3A_297 = arith.constant 16 : i32
            %mul3A_298 = arith.muli %while3A_210, %mul3A_297 : i32
            %add3A_299 = vector.broadcast %mul3A_298 : i32 to vector<16xi32>
            %add3A_300 = arith.addi %mul3A_29, %add3A_299 : vector<16xi32>
            %add3A_301 = arith.constant 9 : i32
            %add3A_302 = vector.broadcast %add3A_301 : i32 to vector<16xi32>
            %add3A_303 = arith.addi %add3A_300, %add3A_302 : vector<16xi32>
            %gather3A_304 = tpu.vector_load_idx %arg4[%add3A_303] : memref<26624xf32, #tpu.memory_space<vmem>>[vector<16xi32>], vector<16xf32>,
            %mul3A_305 = arith.mulf %gather3A_124, %gather3A_304 : vector<16xf32>
            %add3A_306 = arith.addf %add3A_296, %mul3A_305 : vector<16xf32>
            %mul3A_307 = arith.constant 16 : i32
            %mul3A_308 = arith.muli %while3A_210, %mul3A_307 : i32
            %add3A_309 = vector.broadcast %mul3A_308 : i32 to vector<16xi32>
            %add3A_310 = arith.addi %mul3A_29, %add3A_309 : vector<16xi32>
            %add3A_311 = arith.constant 10 : i32
            %add3A_312 = vector.broadcast %add3A_311 : i32 to vector<16xi32>
            %add3A_313 = arith.addi %add3A_310, %add3A_312 : vector<16xi32>
            %gather3A_314 = tpu.vector_load_idx %arg4[%add3A_313] : memref<26624xf32, #tpu.memory_space<vmem>>[vector<16xi32>], vector<16xf32>,
            %mul3A_315 = arith.mulf %gather3A_132, %gather3A_314 : vector<16xf32>
            %add3A_316 = arith.addf %add3A_306, %mul3A_315 : vector<16xf32>
            %mul3A_317 = arith.constant 16 : i32
            %mul3A_318 = arith.muli %while3A_210, %mul3A_317 : i32
            %add3A_319 = vector.broadcast %mul3A_318 : i32 to vector<16xi32>
            %add3A_320 = arith.addi %mul3A_29, %add3A_319 : vector<16xi32>
            %add3A_321 = arith.constant 11 : i32
            %add3A_322 = vector.broadcast %add3A_321 : i32 to vector<16xi32>
            %add3A_323 = arith.addi %add3A_320, %add3A_322 : vector<16xi32>
            %gather3A_324 = tpu.vector_load_idx %arg4[%add3A_323] : memref<26624xf32, #tpu.memory_space<vmem>>[vector<16xi32>], vector<16xf32>,
            %mul3A_325 = arith.mulf %gather3A_140, %gather3A_324 : vector<16xf32>
            %add3A_326 = arith.addf %add3A_316, %mul3A_325 : vector<16xf32>
            %mul3A_327 = arith.constant 16 : i32
            %mul3A_328 = arith.muli %while3A_210, %mul3A_327 : i32
            %add3A_329 = vector.broadcast %mul3A_328 : i32 to vector<16xi32>
            %add3A_330 = arith.addi %mul3A_29, %add3A_329 : vector<16xi32>
            %add3A_331 = arith.constant 12 : i32
            %add3A_332 = vector.broadcast %add3A_331 : i32 to vector<16xi32>
            %add3A_333 = arith.addi %add3A_330, %add3A_332 : vector<16xi32>
            %gather3A_334 = tpu.vector_load_idx %arg4[%add3A_333] : memref<26624xf32, #tpu.memory_space<vmem>>[vector<16xi32>], vector<16xf32>,
            %mul3A_335 = arith.mulf %gather3A_148, %gather3A_334 : vector<16xf32>
            %add3A_336 = arith.addf %add3A_326, %mul3A_335 : vector<16xf32>
            %mul3A_337 = arith.constant 16 : i32
            %mul3A_338 = arith.muli %while3A_210, %mul3A_337 : i32
            %add3A_339 = vector.broadcast %mul3A_338 : i32 to vector<16xi32>
            %add3A_340 = arith.addi %mul3A_29, %add3A_339 : vector<16xi32>
            %add3A_341 = arith.constant 13 : i32
            %add3A_342 = vector.broadcast %add3A_341 : i32 to vector<16xi32>
            %add3A_343 = arith.addi %add3A_340, %add3A_342 : vector<16xi32>
            %gather3A_344 = tpu.vector_load_idx %arg4[%add3A_343] : memref<26624xf32, #tpu.memory_space<vmem>>[vector<16xi32>], vector<16xf32>,
            %mul3A_345 = arith.mulf %gather3A_156, %gather3A_344 : vector<16xf32>
            %add3A_346 = arith.addf %add3A_336, %mul3A_345 : vector<16xf32>
            %mul3A_347 = arith.constant 16 : i32
            %mul3A_348 = arith.muli %while3A_210, %mul3A_347 : i32
            %add3A_349 = vector.broadcast %mul3A_348 : i32 to vector<16xi32>
            %add3A_350 = arith.addi %mul3A_29, %add3A_349 : vector<16xi32>
            %add3A_351 = arith.constant 14 : i32
            %add3A_352 = vector.broadcast %add3A_351 : i32 to vector<16xi32>
            %add3A_353 = arith.addi %add3A_350, %add3A_352 : vector<16xi32>
            %gather3A_354 = tpu.vector_load_idx %arg4[%add3A_353] : memref<26624xf32, #tpu.memory_space<vmem>>[vector<16xi32>], vector<16xf32>,
            %mul3A_355 = arith.mulf %gather3A_164, %gather3A_354 : vector<16xf32>
            %add3A_356 = arith.addf %add3A_346, %mul3A_355 : vector<16xf32>
            %mul3A_357 = arith.constant 16 : i32
            %mul3A_358 = arith.muli %while3A_210, %mul3A_357 : i32
            %add3A_359 = vector.broadcast %mul3A_358 : i32 to vector<16xi32>
            %add3A_360 = arith.addi %mul3A_29, %add3A_359 : vector<16xi32>
            %add3A_361 = arith.constant 15 : i32
            %add3A_362 = vector.broadcast %add3A_361 : i32 to vector<16xi32>
            %add3A_363 = arith.addi %add3A_360, %add3A_362 : vector<16xi32>
            %gather3A_364 = tpu.vector_load_idx %arg4[%add3A_363] : memref<26624xf32, #tpu.memory_space<vmem>>[vector<16xi32>], vector<16xf32>,
            %mul3A_365 = arith.mulf %gather3A_172, %gather3A_364 : vector<16xf32>
            %add3A_366 = arith.addf %add3A_356, %mul3A_365 : vector<16xf32>
            %add3A_367 = vector.broadcast %sub3A_198 : i32 to vector<16xi32>
            %add3A_368 = arith.addi %mul3A_32, %add3A_367 : vector<16xi32>
            %add3A_369 = vector.broadcast %while3A_210 : i32 to vector<16xi32>
            %add3A_370 = arith.addi %add3A_368, %add3A_369 : vector<16xi32>
            tpu.vector_store_idx %arg5[%add3A_370], %add3A_366 : memref<47424xf32, #tpu.memory_space<vmem>>[vector<16xi32>], vector<16xf32>,
          }
          %while3A_209 = arith.constant 1 : i32
          scf.for %while3A_210 = %while3A_207 to %while3A_203 step %while3A_209  : i32 {
            %mul3A_211 = arith.constant 16 : i32
            %mul3A_212 = arith.muli %while3A_210, %mul3A_211 : i32
            %add3A_213 = vector.broadcast %mul3A_212 : i32 to vector<16xi32>
            %add3A_214 = arith.addi %mul3A_29, %add3A_213 : vector<16xi32>
            %gather3A_215 = tpu.vector_load_idx %arg4[%add3A_214] : memref<26624xf32, #tpu.memory_space<vmem>>[vector<16xi32>], vector<16xf32>,
            %mul3A_216 = arith.mulf %gather3A, %gather3A_215 : vector<16xf32>
            %mul3A_217 = arith.constant 16 : i32
            %mul3A_218 = arith.muli %while3A_210, %mul3A_217 : i32
            %add3A_219 = vector.broadcast %mul3A_218 : i32 to vector<16xi32>
            %add3A_220 = arith.addi %mul3A_29, %add3A_219 : vector<16xi32>
            %add3A_221 = arith.constant 1 : i32
            %add3A_222 = vector.broadcast %add3A_221 : i32 to vector<16xi32>
            %add3A_223 = arith.addi %add3A_220, %add3A_222 : vector<16xi32>
            %gather3A_224 = tpu.vector_load_idx %arg4[%add3A_223] : memref<26624xf32, #tpu.memory_space<vmem>>[vector<16xi32>], vector<16xf32>,
            %mul3A_225 = arith.mulf %gather3A_60, %gather3A_224 : vector<16xf32>
            %add3A_226 = arith.addf %mul3A_216, %mul3A_225 : vector<16xf32>
            %mul3A_227 = arith.constant 16 : i32
            %mul3A_228 = arith.muli %while3A_210, %mul3A_227 : i32
            %add3A_229 = vector.broadcast %mul3A_228 : i32 to vector<16xi32>
            %add3A_230 = arith.addi %mul3A_29, %add3A_229 : vector<16xi32>
            %add3A_231 = arith.constant 2 : i32
            %add3A_232 = vector.broadcast %add3A_231 : i32 to vector<16xi32>
            %add3A_233 = arith.addi %add3A_230, %add3A_232 : vector<16xi32>
            %gather3A_234 = tpu.vector_load_idx %arg4[%add3A_233] : memref<26624xf32, #tpu.memory_space<vmem>>[vector<16xi32>], vector<16xf32>,
            %mul3A_235 = arith.mulf %gather3A_68, %gather3A_234 : vector<16xf32>
            %add3A_236 = arith.addf %add3A_226, %mul3A_235 : vector<16xf32>
            %mul3A_237 = arith.constant 16 : i32
            %mul3A_238 = arith.muli %while3A_210, %mul3A_237 : i32
            %add3A_239 = vector.broadcast %mul3A_238 : i32 to vector<16xi32>
            %add3A_240 = arith.addi %mul3A_29, %add3A_239 : vector<16xi32>
            %add3A_241 = arith.constant 3 : i32
            %add3A_242 = vector.broadcast %add3A_241 : i32 to vector<16xi32>
            %add3A_243 = arith.addi %add3A_240, %add3A_242 : vector<16xi32>
            %gather3A_244 = tpu.vector_load_idx %arg4[%add3A_243] : memref<26624xf32, #tpu.memory_space<vmem>>[vector<16xi32>], vector<16xf32>,
            %mul3A_245 = arith.mulf %gather3A_76, %gather3A_244 : vector<16xf32>
            %add3A_246 = arith.addf %add3A_236, %mul3A_245 : vector<16xf32>
            %mul3A_247 = arith.constant 16 : i32
            %mul3A_248 = arith.muli %while3A_210, %mul3A_247 : i32
            %add3A_249 = vector.broadcast %mul3A_248 : i32 to vector<16xi32>
            %add3A_250 = arith.addi %mul3A_29, %add3A_249 : vector<16xi32>
            %add3A_251 = arith.constant 4 : i32
            %add3A_252 = vector.broadcast %add3A_251 : i32 to vector<16xi32>
            %add3A_253 = arith.addi %add3A_250, %add3A_252 : vector<16xi32>
            %gather3A_254 = tpu.vector_load_idx %arg4[%add3A_253] : memref<26624xf32, #tpu.memory_space<vmem>>[vector<16xi32>], vector<16xf32>,
            %mul3A_255 = arith.mulf %gather3A_84, %gather3A_254 : vector<16xf32>
            %add3A_256 = arith.addf %add3A_246, %mul3A_255 : vector<16xf32>
            %mul3A_257 = arith.constant 16 : i32
            %mul3A_258 = arith.muli %while3A_210, %mul3A_257 : i32
            %add3A_259 = vector.broadcast %mul3A_258 : i32 to vector<16xi32>
            %add3A_260 = arith.addi %mul3A_29, %add3A_259 : vector<16xi32>
            %add3A_261 = arith.constant 5 : i32
            %add3A_262 = vector.broadcast %add3A_261 : i32 to vector<16xi32>
            %add3A_263 = arith.addi %add3A_260, %add3A_262 : vector<16xi32>
            %gather3A_264 = tpu.vector_load_idx %arg4[%add3A_263] : memref<26624xf32, #tpu.memory_space<vmem>>[vector<16xi32>], vector<16xf32>,
            %mul3A_265 = arith.mulf %gather3A_92, %gather3A_264 : vector<16xf32>
            %add3A_266 = arith.addf %add3A_256, %mul3A_265 : vector<16xf32>
            %mul3A_267 = arith.constant 16 : i32
            %mul3A_268 = arith.muli %while3A_210, %mul3A_267 : i32
            %add3A_269 = vector.broadcast %mul3A_268 : i32 to vector<16xi32>
            %add3A_270 = arith.addi %mul3A_29, %add3A_269 : vector<16xi32>
            %add3A_271 = arith.constant 6 : i32
            %add3A_272 = vector.broadcast %add3A_271 : i32 to vector<16xi32>
            %add3A_273 = arith.addi %add3A_270, %add3A_272 : vector<16xi32>
            %gather3A_274 = tpu.vector_load_idx %arg4[%add3A_273] : memref<26624xf32, #tpu.memory_space<vmem>>[vector<16xi32>], vector<16xf32>,
            %mul3A_275 = arith.mulf %gather3A_100, %gather3A_274 : vector<16xf32>
            %add3A_276 = arith.addf %add3A_266, %mul3A_275 : vector<16xf32>
            %mul3A_277 = arith.constant 16 : i32
            %mul3A_278 = arith.muli %while3A_210, %mul3A_277 : i32
            %add3A_279 = vector.broadcast %mul3A_278 : i32 to vector<16xi32>
            %add3A_280 = arith.addi %mul3A_29, %add3A_279 : vector<16xi32>
            %add3A_281 = arith.constant 7 : i32
            %add3A_282 = vector.broadcast %add3A_281 : i32 to vector<16xi32>
            %add3A_283 = arith.addi %add3A_280, %add3A_282 : vector<16xi32>
            %gather3A_284 = tpu.vector_load_idx %arg4[%add3A_283] : memref<26624xf32, #tpu.memory_space<vmem>>[vector<16xi32>], vector<16xf32>,
            %mul3A_285 = arith.mulf %gather3A_108, %gather3A_284 : vector<16xf32>
            %add3A_286 = arith.addf %add3A_276, %mul3A_285 : vector<16xf32>
            %mul3A_287 = arith.constant 16 : i32
            %mul3A_288 = arith.muli %while3A_210, %mul3A_287 : i32
            %add3A_289 = vector.broadcast %mul3A_288 : i32 to vector<16xi32>
            %add3A_290 = arith.addi %mul3A_29, %add3A_289 : vector<16xi32>
            %add3A_291 = arith.constant 8 : i32
            %add3A_292 = vector.broadcast %add3A_291 : i32 to vector<16xi32>
            %add3A_293 = arith.addi %add3A_290, %add3A_292 : vector<16xi32>
            %gather3A_294 = tpu.vector_load_idx %arg4[%add3A_293] : memref<26624xf32, #tpu.memory_space<vmem>>[vector<16xi32>], vector<16xf32>,
            %mul3A_295 = arith.mulf %gather3A_116, %gather3A_294 : vector<16xf32>
            %add3A_296 = arith.addf %add3A_286, %mul3A_295 : vector<16xf32>
            %mul3A_297 = arith.constant 16 : i32
            %mul3A_298 = arith.muli %while3A_210, %mul3A_297 : i32
            %add3A_299 = vector.broadcast %mul3A_298 : i32 to vector<16xi32>
            %add3A_300 = arith.addi %mul3A_29, %add3A_299 : vector<16xi32>
            %add3A_301 = arith.constant 9 : i32
            %add3A_302 = vector.broadcast %add3A_301 : i32 to vector<16xi32>
            %add3A_303 = arith.addi %add3A_300, %add3A_302 : vector<16xi32>
            %gather3A_304 = tpu.vector_load_idx %arg4[%add3A_303] : memref<26624xf32, #tpu.memory_space<vmem>>[vector<16xi32>], vector<16xf32>,
            %mul3A_305 = arith.mulf %gather3A_124, %gather3A_304 : vector<16xf32>
            %add3A_306 = arith.addf %add3A_296, %mul3A_305 : vector<16xf32>
            %mul3A_307 = arith.constant 16 : i32
            %mul3A_308 = arith.muli %while3A_210, %mul3A_307 : i32
            %add3A_309 = vector.broadcast %mul3A_308 : i32 to vector<16xi32>
            %add3A_310 = arith.addi %mul3A_29, %add3A_309 : vector<16xi32>
            %add3A_311 = arith.constant 10 : i32
            %add3A_312 = vector.broadcast %add3A_311 : i32 to vector<16xi32>
            %add3A_313 = arith.addi %add3A_310, %add3A_312 : vector<16xi32>
            %gather3A_314 = tpu.vector_load_idx %arg4[%add3A_313] : memref<26624xf32, #tpu.memory_space<vmem>>[vector<16xi32>], vector<16xf32>,
            %mul3A_315 = arith.mulf %gather3A_132, %gather3A_314 : vector<16xf32>
            %add3A_316 = arith.addf %add3A_306, %mul3A_315 : vector<16xf32>
            %mul3A_317 = arith.constant 16 : i32
            %mul3A_318 = arith.muli %while3A_210, %mul3A_317 : i32
            %add3A_319 = vector.broadcast %mul3A_318 : i32 to vector<16xi32>
            %add3A_320 = arith.addi %mul3A_29, %add3A_319 : vector<16xi32>
            %add3A_321 = arith.constant 11 : i32
            %add3A_322 = vector.broadcast %add3A_321 : i32 to vector<16xi32>
            %add3A_323 = arith.addi %add3A_320, %add3A_322 : vector<16xi32>
            %gather3A_324 = tpu.vector_load_idx %arg4[%add3A_323] : memref<26624xf32, #tpu.memory_space<vmem>>[vector<16xi32>], vector<16xf32>,
            %mul3A_325 = arith.mulf %gather3A_140, %gather3A_324 : vector<16xf32>
            %add3A_326 = arith.addf %add3A_316, %mul3A_325 : vector<16xf32>
            %mul3A_327 = arith.constant 16 : i32
            %mul3A_328 = arith.muli %while3A_210, %mul3A_327 : i32
            %add3A_329 = vector.broadcast %mul3A_328 : i32 to vector<16xi32>
            %add3A_330 = arith.addi %mul3A_29, %add3A_329 : vector<16xi32>
            %add3A_331 = arith.constant 12 : i32
            %add3A_332 = vector.broadcast %add3A_331 : i32 to vector<16xi32>
            %add3A_333 = arith.addi %add3A_330, %add3A_332 : vector<16xi32>
            %gather3A_334 = tpu.vector_load_idx %arg4[%add3A_333] : memref<26624xf32, #tpu.memory_space<vmem>>[vector<16xi32>], vector<16xf32>,
            %mul3A_335 = arith.mulf %gather3A_148, %gather3A_334 : vector<16xf32>
            %add3A_336 = arith.addf %add3A_326, %mul3A_335 : vector<16xf32>
            %mul3A_337 = arith.constant 16 : i32
            %mul3A_338 = arith.muli %while3A_210, %mul3A_337 : i32
            %add3A_339 = vector.broadcast %mul3A_338 : i32 to vector<16xi32>
            %add3A_340 = arith.addi %mul3A_29, %add3A_339 : vector<16xi32>
            %add3A_341 = arith.constant 13 : i32
            %add3A_342 = vector.broadcast %add3A_341 : i32 to vector<16xi32>
            %add3A_343 = arith.addi %add3A_340, %add3A_342 : vector<16xi32>
            %gather3A_344 = tpu.vector_load_idx %arg4[%add3A_343] : memref<26624xf32, #tpu.memory_space<vmem>>[vector<16xi32>], vector<16xf32>,
            %mul3A_345 = arith.mulf %gather3A_156, %gather3A_344 : vector<16xf32>
            %add3A_346 = arith.addf %add3A_336, %mul3A_345 : vector<16xf32>
            %mul3A_347 = arith.constant 16 : i32
            %mul3A_348 = arith.muli %while3A_210, %mul3A_347 : i32
            %add3A_349 = vector.broadcast %mul3A_348 : i32 to vector<16xi32>
            %add3A_350 = arith.addi %mul3A_29, %add3A_349 : vector<16xi32>
            %add3A_351 = arith.constant 14 : i32
            %add3A_352 = vector.broadcast %add3A_351 : i32 to vector<16xi32>
            %add3A_353 = arith.addi %add3A_350, %add3A_352 : vector<16xi32>
            %gather3A_354 = tpu.vector_load_idx %arg4[%add3A_353] : memref<26624xf32, #tpu.memory_space<vmem>>[vector<16xi32>], vector<16xf32>,
            %mul3A_355 = arith.mulf %gather3A_164, %gather3A_354 : vector<16xf32>
            %add3A_356 = arith.addf %add3A_346, %mul3A_355 : vector<16xf32>
            %mul3A_357 = arith.constant 16 : i32
            %mul3A_358 = arith.muli %while3A_210, %mul3A_357 : i32
            %add3A_359 = vector.broadcast %mul3A_358 : i32 to vector<16xi32>
            %add3A_360 = arith.addi %mul3A_29, %add3A_359 : vector<16xi32>
            %add3A_361 = arith.constant 15 : i32
            %add3A_362 = vector.broadcast %add3A_361 : i32 to vector<16xi32>
            %add3A_363 = arith.addi %add3A_360, %add3A_362 : vector<16xi32>
            %gather3A_364 = tpu.vector_load_idx %arg4[%add3A_363] : memref<26624xf32, #tpu.memory_space<vmem>>[vector<16xi32>], vector<16xf32>,
            %mul3A_365 = arith.mulf %gather3A_172, %gather3A_364 : vector<16xf32>
            %add3A_366 = arith.addf %add3A_356, %mul3A_365 : vector<16xf32>
            %add3A_367 = vector.broadcast %sub3A_198 : i32 to vector<16xi32>
            %add3A_368 = arith.addi %mul3A_32, %add3A_367 : vector<16xi32>
            %add3A_369 = vector.broadcast %while3A_210 : i32 to vector<16xi32>
            %add3A_370 = arith.addi %add3A_368, %add3A_369 : vector<16xi32>
            tpu.vector_store_idx %arg5[%add3A_370], %add3A_366 : memref<47424xf32, #tpu.memory_space<vmem>>[vector<16xi32>], vector<16xf32>,
          }
        }
        %scan3A_44 = arith.constant 25 : i32
      }
      %scan3A_19 = arith.constant 4 : i32
      %mul3A_20 = arith.constant 741 : i32
      %mul3A_21 = arith.muli %add3A_11, %mul3A_20 : i32
      "tpu.region"() ({
        %run_scoped3A = tpu.sem_alloc : memref<!tpu.dma_semaphore, #tpu.memory_space<semaphore_mem>>
        %dma_start3A = tpu.memref_slice %arg3[%mul3A_21] : memref<12140544xf32, #tpu.memory_space<hbm>> -> memref<47424xf32, #tpu.memory_space<hbm>>
        %dma_start3A_22 = tpu.memref_slice %arg3[%mul3A_21] : memref<12140544xf32, #tpu.memory_space<hbm>> -> memref<47424xf32, #tpu.memory_space<hbm>>
        tpu.enqueue_dma source(%arg5 : memref<47424xf32, #tpu.memory_space<vmem>>) target(%dma_start3A_22 : memref<47424xf32, #tpu.memory_space<hbm>>) target_semaphore(%run_scoped3A : memref<!tpu.dma_semaphore, #tpu.memory_space<semaphore_mem>>)
        %dma_wait3A = tpu.memref_slice %arg3[%mul3A_21] : memref<12140544xf32, #tpu.memory_space<hbm>> -> memref<47424xf32, #tpu.memory_space<hbm>>
        %dma_wait3A_23 = tpu.memref_slice %arg3[%mul3A_21] : memref<12140544xf32, #tpu.memory_space<hbm>> -> memref<47424xf32, #tpu.memory_space<hbm>>
        tpu.wait_dma2 semaphore(%run_scoped3A : memref<!tpu.dma_semaphore, #tpu.memory_space<semaphore_mem>>) src(%arg5 : memref<47424xf32, #tpu.memory_space<vmem>>) dst(%dma_wait3A_23 : memref<47424xf32, #tpu.memory_space<hbm>>)
        tpu.yield
      }) : () -> ()
    }
    %scan3A_5 = arith.constant 8 : i32
    return
  }
}

</mosaic_0001>

<sc_bundles>
// kernel: _run.3.cloned.1.call-start
scs
__scs_entry_jumppad:
0x0: {  	(pc) =	sbr.rel $0x88, $3  }
0x1: {  	(tag) =	ssettag $0x0;
	lr =	simm.s32 $0x1  }
0x2: {  	[smem:$0x3FA0] =	sst lr;
	_ =	strace $0xD0000000  }
0x3: {  	_ = 	snop  }
0x4: {  	_ = 	snop  }
0x5: {  	_ = 	snop  }
0x6: {  	_ = 	snop  }
0x7: {  	_ = 	snop  }
__scs_overlays_trampoline_lowered:
0x8: {  	[smem:$0x3FAF] =	sst s0  }
0x9: {  	[smem:$0x3FB0] =	sst s1  }
0xa: {  	[smem:$0x3FB1] =	sst s2  }
0xb: {  	[smem:$0x3FB2] =	sst s3  }
0xc: {  	[smem:$0x3FB3] =	sst s4  }
0xd: {  	[smem:$0x3FB4] =	sst s5  }
0xe: {  	[smem:$0x3FB5] =	sst s6  }
0xf: {  	[smem:$0x3FB6] =	sst s7  }
0x10: {  	[smem:$0x3FB7] =	sst s8  }
0x11: {  	[smem:$0x3FB8] =	sst s9;
	s0 =	simm.s32 @!p0 $0x0  }
0x12: {  	s1 =	sld [smem:$0x3F9E];
	s0 =	simm.s32 @p0 $0x1  }
0x13: {  	[smem:$0x3FB9] =	sst s0;
	s0 =	simm.s32 @!p1 $0x0  }
0x14: {  	s2 =	sld [smem:$0x3F9D];
	s0 =	simm.s32 @p1 $0x1  }
0x15: {  	[smem:$0x3FBA] =	sst s0;
	s0 =	simm.s32 @!p2 $0x0  }
0x16: {  	s3 =	sld [smem:$0x3FDB];
	s0 =	simm.s32 @p2 $0x1  }
0x17: {  	s4 =	simm.s32 $0x1BF5;
	[smem:$0x3FBC] =	sst s0  }
0x18: {  	s0 =	sld [smem:$0x3F9F];
	_ =	swait.ge [sflag:s4], $0x0  }
0x19: {  	s7 =	sld [smem:$0x3FA0]  }
0x1a: {  	s8 =	sadd.s32 $0xFFFFE003, lr  }
0x1b: {  	s9 =	sadd.s32 $0xFFFFFEF7, lr;
	s5 =	simm.s32 $0xFFFFFFFF;
	p2 =	slt.u32 s8, $0xFFFFF086  }
0x1c: {  	p1 =	slt.u32 s9, $0xF7A;
	s5 =	simm.s32 @!p2 $0x0  }
0x1d: {  	s5 =	simm.s32 @p1 $0x1;
	p0 =	seq.s32 s7, s2  }
0x1e: {  	s7 =	smul.u32 @!p0 $0xF7A, s2;
	p2 =	seq.s32 @!p0 s5, $0x0  }
0x1f: {  	s9 =	smul.u32 $0xF7A, s1;
	s8 =	simm.s32 @!p0 $0x1BF5;
	p2 =	por !p2, p0  }
0x20: {  	[sflag:s8] =	ssyncset.s32 @!p0 $0xFFFFF086;
	s6 =	sadd.s32 @!p0 s3, s7;
	s7 =	simm.s32 @!p0 $0x108  }
0x21: {  	s3 =	sadd.s32 s3, s9;
	s6 =	sadd.s32 @!p0 $0x88, s6;
	s7 =	simm.s32 @p2 $0x1082  }
0x22: {  	[simem:s7], [sflag:s8] =	dma.local @!p0 [hbm:s6], $0xF7A  }
0x23: {  	s9 =	sor.u32 $0xD0000000, s2;
	s6 =	simm.s32 $0x108;
	_ =	swait.ge @!p0 [sflag:s8], $0x0  }
0x24: {  	s3 =	sadd.s32 $0x88, s3;
	s6 =	simm.s32 @!p1 $0x1082;
	[sflag:s4] =	ssyncset.s32 $0xFFFFF086  }
0x25: {  	[simem:s6], [sflag:s4] =	dma.local [hbm:s3], $0xF7A  }
0x26: {  	[smem:$0x3FA0] =	sst s1;
	(tag) =	ssettag s2;
	_ =	strace s9  }
0x27: {  	s1 =	sld [smem:$0x3FB0]  }
0x28: {  	s2 =	sld [smem:$0x3FB1]  }
0x29: {  	s4 =	sld [smem:$0x3FB3]  }
0x2a: {  	p0 =	seq.s32 s5, $0x0;
	s5 =	sld [smem:$0x3FB4]  }
0x2b: {  	s6 =	sld [smem:$0x3FB5]  }
0x2c: {  	s7 =	sld [smem:$0x3FB6]  }
0x2d: {  	s3 =	simm.s32 $0x108;
	s8 =	sld [smem:$0x3FB7]  }
0x2e: {  	s3 =	simm.s32 @!p0 $0x1082;
	s9 =	sld [smem:$0x3FB8]  }
0x2f: {  	lr =	sadd.s32 s0, s3;
	s0 =	sld [smem:$0x3FAF]  }
0x30: {  	s3 =	sld [smem:$0x3FB2]  }
0x31: {  	[smem:$0x3FBB] =	sst s10  }
0x32: {  	s10 =	sld [smem:$0x3FB9];
	_ =	sdelay $0x3  }
0x33: {  	p0 =	seq.s32 s10, $0x1;
	s10 =	sld [smem:$0x3FBB];
	_ =	sdelay $0x3  }
0x34: {  	[smem:$0x3FBB] =	sst s10  }
0x35: {  	s10 =	sld [smem:$0x3FBA];
	_ =	sdelay $0x3  }
0x36: {  	p1 =	seq.s32 s10, $0x1;
	s10 =	sld [smem:$0x3FBB];
	_ =	sdelay $0x3  }
0x37: {  	[smem:$0x3FBB] =	sst s10  }
0x38: {  	s10 =	sld [smem:$0x3FBC]  }
0x39: {  	_ = 	snop;
	(pc) =	sbr.ind lr, $3  }
0x3a: {  	_ = 	snop  }
0x3b: {  	_ = 	snop  }
0x3c: {  	p2 =	seq.s32 s10, $0x1;
	s10 =	sld [smem:$0x3FBB]  }
0x3d: {  	_ =	shalt  }
0x3e: {  	_ =	shalt  }
0x3f: {  	_ =	shalt  }
0x40: {  	_ =	shalt  }
0x41: {  	_ =	shalt  }
0x42: {  	_ =	shalt  }
0x43: {  	_ =	shalt  }
0x44: {  	_ =	shalt  }
0x45: {  	_ =	shalt  }
0x46: {  	_ =	shalt  }
0x47: {  	_ =	shalt  }
0x48: {  	_ =	shalt  }
0x49: {  	_ =	shalt  }
0x4a: {  	_ =	shalt  }
0x4b: {  	_ =	shalt  }
0x4c: {  	_ =	shalt  }
0x4d: {  	_ =	shalt  }
0x4e: {  	_ =	shalt  }
0x4f: {  	_ =	shalt  }
0x50: {  	_ =	shalt  }
0x51: {  	_ =	shalt  }
0x52: {  	_ =	shalt  }
0x53: {  	_ =	shalt  }
0x54: {  	_ =	shalt  }
0x55: {  	_ =	shalt  }
0x56: {  	_ =	shalt  }
0x57: {  	_ =	shalt  }
0x58: {  	_ =	shalt  }
0x59: {  	_ =	shalt  }
0x5a: {  	_ =	shalt  }
0x5b: {  	_ =	shalt  }
0x5c: {  	_ =	shalt  }
0x5d: {  	_ =	shalt  }
0x5e: {  	_ =	shalt  }
0x5f: {  	_ =	shalt  }
0x60: {  	_ =	shalt  }
0x61: {  	_ =	shalt  }
0x62: {  	_ =	shalt  }
0x63: {  	_ =	shalt  }
0x64: {  	_ =	shalt  }
0x65: {  	_ =	shalt  }
0x66: {  	_ =	shalt  }
0x67: {  	_ =	shalt  }
0x68: {  	_ =	shalt  }
0x69: {  	_ =	shalt  }
0x6a: {  	_ =	shalt  }
0x6b: {  	_ =	shalt  }
0x6c: {  	_ =	shalt  }
0x6d: {  	_ =	shalt  }
0x6e: {  	_ =	shalt  }
0x6f: {  	_ =	shalt  }
0x70: {  	_ =	shalt  }
0x71: {  	_ =	shalt  }
0x72: {  	_ =	shalt  }
0x73: {  	_ =	shalt  }
0x74: {  	_ =	shalt  }
0x75: {  	_ =	shalt  }
0x76: {  	_ =	shalt  }
0x77: {  	_ =	shalt  }
0x78: {  	_ =	shalt  }
0x79: {  	_ =	shalt  }
0x7a: {  	_ =	shalt  }
0x7b: {  	_ =	shalt  }
0x7c: {  	_ =	shalt  }
0x7d: {  	_ =	shalt  }
0x7e: {  	_ =	shalt  }
0x7f: {  	_ =	shalt  }
0x80: {  	_ =	shalt  }
0x81: {  	_ =	shalt  }
0x82: {  	_ =	shalt  }
0x83: {  	_ =	shalt  }
0x84: {  	_ =	shalt  }
0x85: {  	_ =	shalt  }
0x86: {  	_ =	shalt  }
0x87: {  	_ =	shalt  }
.Lfunc_end0:
.L_simem_size_0:
called_computation_lowered:
.L_overlay_start_0:
0x88: {  	s2 =	sld [smem:$0x3FD9]  }
0x89: {  	s3 =	sld [smem:$0x3FFE];
	_ =	sdelay $0x1  }
0x8a: {  	s1 =	srdreg.scid  }
0x8b: {  	s0 =	sand.u32 $0x1, s1  }
0x8c: {  	s18 =	sshll.u32 s0, $0xA;
	s2 =	sadd.s32 s3, s2  }
0x8d: {  	s2 =	sadd.s32 s2, s18  }
0x8e: {  	[smem:$0x3FC7] =	sst s2  }
0x8f: {  	_ = 	snop  }
0x90: {  	s2 =	sld [smem:$0x3FC9]  }
0x91: {  	s19 =	sld [smem:$0x3FD0];
	(tm) =	ssettm $0x1  }
0x92: {  	s4 =	sld [smem:$0x3FFB];
	_ =	sdelay $0x3  }
0x93: {  	_ =	strace s4  }
0x94: {  	s4 =	sld [smem:$0x3FFC];
	_ =	sdelay $0x3  }
0x95: {  	_ =	strace s4  }
0x96: {  	s4 =	sld [smem:$0x3FFD];
	_ =	sdelay $0x3  }
0x97: {  	_ =	strace s4  }
0x98: {  	_ =	strace $0x8FFFFFFF  }
0x99: {  	s20 =	sld [smem:$0x3FDB];
	_ =	sdelay $0x1  }
0x9a: {  	s5 =	simm.s32 $_scs_section_size  }
0x9b: {  	s6 =	simm.s32 $_size__tile_overlayer_lowered;
	s7 =	simm.s32 $_tile_overlayer_lowered  }
0x9c: {  	s23 =	simm.s32 $0x1BFF;
	s22 =	sshll.u32 s7, $0x1;
	s4 =	sadd.s32 s5, s20  }
0x9d: {  	s8 =	simm.s32 $0x0;
	s21 =	sshll.u32 s6, $0x1;
	s6 =	sadd.s32 s22, s4  }
0x9e: {  	[timem:s8], [sflag:s23] =	dma.local [hbm:s6], s21  }
0x9f: {  	_ =	swait.ge [sflag:s23], s21  }
0xa0: {  	s5 =	ssub.s32 $0x0, s21;
	[sflag:s23] =	ssyncset.done $0x0  }
0xa1: {  	[sflag:s23] =	ssyncadd.s32 s5;
	_ =	sdelay $0x1  }
0xa2: {  	s24 =	simm.s32 $0x1B8B  }
0xa3: {  	_ =	swait.ge [sflag:s24], $0x1  }
0xa4: {  	[sflag:s24] =	ssyncset.done $0x0  }
0xa5: {  	s25 =	simm.s32 $0x1B8E;
	[sflag:s24] =	ssyncadd.s32 $0xFFFFFFFF  }
0xa6: {  	s26 =	simm.s32 $execute0_lowered;
	[smem:$0x3FD2] =	sst s25  }
0xa7: {  	s5 =	sshll.u32 s26, $0x1;
	_ =	strace $0x80000046;
	[dreg:$0x1] =	wrdreg $0xFFFFFFFF  }
0xa8: {  	s28 =	simm.s32 $_size_execute0_lowered;
	s4 =	sadd.s32 s4, s5;
	[dreg:$0x0] =	wrdreg $0x0  }
0xa9: {  	s5 =	sshll.u32 s28, $0x1;
	[dreg:$0x2] =	wrdreg s4  }
0xaa: {  	[dreg:$0x3] =	wrdreg s5  }
0xab: {  	[dreg:$0x4] =	wrdreg $0xC0  }
0xac: {  	_ =	task [dreg:s8], $0x5FFFF  }
0xad: {  	[dreg:$0x1] =	wrdreg $0xFFFFFFFF  }
0xae: {  	[dreg:$0x0] =	wrdreg $0x60  }
0xaf: {  	[dreg:$0x2] =	wrdreg s2  }
0xb0: {  	[dreg:$0x3] =	wrdreg s19  }
0xb1: {  	[dreg:$0x4] =	wrdreg $0x9  }
0xb2: {  	_ =	task.clear_ibuf [dreg:s8], $0x5FFFF;
	_ =	strace $0x90000046  }
0xb3: {  	s29 =	simm.s32 $0x9;
	_ =	strace $0x80000048  }
0xb4: {  	_ =	swait.ge [sflag:s29], $0x1  }
0xb5: {  	[sflag:s29] =	ssyncadd.s32 $0xFFFFFFFF  }
0xb6: {  	_ =	strace $0x90000048  }
0xb7: {  	_ =	sfence  }
0xb8: {  	s30 =	sld [smem:$0x0];
	_ =	sdelay $0x2  }
0xb9: {  	s31 =	sshll.u32 s1, $0xD;
	s1 =	sshrl.u32 s1, $0x2  }
0xba: {  	s3 =	sand.u32 $0x4000, s31;
	s1 =	sadd.s32 s1, s30  }
0xbb: {  	s0 =	sor.u32 s3, s0;
	s1 =	sshll.u32 s1, $0x11  }
0xbc: {  	s0 =	sor.u32 s1, s0  }
0xbd: {  	s0 =	sadd.s32 $0x8F2B, s0  }
0xbe: {  	[sflag:s0] =	ssyncadd.remote.s32 $0x1  }
0xbf: {  	_ =	sfence.sel $0xFFFF  }
0xc0: {  	[dreg:$0x0] =	wrdreg $0xFFFFFFFF;
	(pc) =	sbr.abs _section_cstart, $3  }
0xc1: {  	[dreg:$0x1] =	wrdreg $0xFFFFFFFF  }
0xc2: {  	_ =	task.clear_ibuf [dreg:s8], $0x2FFFF;
	_ =	strace $0x9FFFFFFF  }
0xc3: {  	(tm) =	ssettm $0x7FFFFFFF  }
tec
execute0_lowered:
.L_overlay_start_1:
0x0: {  	(tag) =	ssettag $0x1  }
0x1: {  	s1 =	rddreg [dreg:$0x0];
	s0 =	srdreg.scid  }
0x2: {  	s2 =	rddreg [dreg:$0x1];
	s4 =	simm.s32 $0x0;
	s3 =	stileid.u32  }
.Ltmp0:
0x3: {  	s8 =	simm.s32 $0x6800;
	s5 =	sand.u32 $0x1, s0;
	(pc) =	sbr.rel .LBB2_1-.Ltmp0, $4  }
0x4: {  	s9 =	simm.s32 $0x0;
	s0 =	rddreg [dreg:$0x2];
	s6 =	ssub.s32 $0x2, s5  }
0x5: {  	[smem:$0x7FF] =	sst s4;
	s31 =	sshll.u32 s3, $0xA;
	s7 =	sshrl.u32 s6, $0x1  }
0x6: {  	s5 =	sshll.u32 s5, $0x9;
	_ =	strace $0x80000047;
	s6 =	ssub.s32 s6, s7  }
0x7: {  	v0 =	vlaneseq.u32;
	s5 =	sor.u32 s5, s31;
	s7 =	simm.s32 $0x1;
	s6 =	smax.u32 s6, $0x1  }
.LBB2_19:
0x8: {  	s9 =	sadd.s32 $0x1, s9  }
0x9: {  	p0 =	sne.s32 s9, s6  }
.Ltmp1:
0xa: {  	_ = 	snop;
	(pc) =	sbr.rel @!p0 .LBB2_20-.Ltmp1, $1  }
0xb: {  	_ =	sdelay $0x3  }
.LBB2_1:
.Ltmp2:
0xc: {  	(pc) =	sbr.rel .LBB2_2-.Ltmp2, $2  }
0xd: {  	_ =	sdelay $0x2  }
0xe: {  	s10 =	simm.s32 $0x0  }
.LBB2_18:
0xf: {  	s11 =	smul.u32 $0x2E5, s11  }
0x10: {  	s10 =	sadd.s32 $0x1, s10  }
0x11: {  	p0 =	sne.s32 s10, $0x8;
	s11 =	sshrl.u32 s11, $0x3  }
.Ltmp3:
0x12: {  	s11 =	sadd.s32 s2, s11;
	(pc) =	sbr.rel @!p0 .LBB2_19-.Ltmp3, $4  }
0x13: {  	[hbm4b:s11+s4] =	stream.linear.scatter [tilespmem:s8], [sflag:$0x1], $0xB940, $0x38;
	[tilespmem:$0x12180] =	vst v63  }
0x14: {  	_ =	swait.ge [sflag:s7], $0xB940  }
0x15: {  	[sflag:s7] =	ssyncset.done $0x0  }
0x16: {  	[sflag:s7] =	ssyncadd.s32 $0xFFFF46C0  }
.LBB2_2:
0x17: {  	s11 =	sshll.u32 s10, $0x6  }
0x18: {  	s11 =	sadd.s32 s5, s11  }
0x19: {  	s12 =	smul.u32 $0x34, s11;
	_ =	sdelay $0x1  }
.Ltmp4:
0x1a: {  	s13 =	sadd.s32 s1, s12;
	s12 =	simm.s32 $0x0;
	(pc) =	sbr.rel .LBB2_3-.Ltmp4, $4  }
0x1b: {  	[tilespmem:s12], [sflag:$0x1] =	stream.linear.gather [hbm4b:s13+s12], $0x6800, $0x38;
	[tilespmem:$0x12180] =	vst v63  }
0x1c: {  	_ =	swait.ge [sflag:s7], $0x6800  }
0x1d: {  	[sflag:s7] =	ssyncset.done $0x0  }
0x1e: {  	[sflag:s7] =	ssyncadd.s32 $0xFFFF9800  }
.LBB2_17:
0x1f: {  	s12 =	sadd.s32 $0x1, s12  }
0x20: {  	p0 =	sne.s32 s12, $0x4  }
.Ltmp5:
0x21: {  	_ = 	snop;
	(pc) =	sbr.rel @!p0 .LBB2_18-.Ltmp5, $1  }
0x22: {  	_ =	sdelay $0x3  }
.LBB2_3:
0x23: {  	p1 =	por $0x0, $0x0  }
.Ltmp6:
0x24: {  	_ = 	snop;
	(pc) =	sbr.rel @p1 .LBB2_4-.Ltmp6, $4  }
0x25: {  	s13 =	sshll.u32 s12, $0x4  }
0x26: {  	v2 =	vor.u32 s13, v0  }
0x27: {  	s16 =	simm.s32 $0xF;
	v1 =	vmul.u32 $0x1A0, v2  }
0x28: {  	s17 =	simm.s32 $0x0;
	p0 =	por $0x0, $0x0;
	s13 =	simm.s32 $0x1F;
	v2 =	vmul.u32 $0x2E5, v2  }
0x29: {  	v3 =	vadd.s32 s17, v1;
	_ =	sdelay $0x3  }
0x2a: {  	s14 =	simm.s32 $0x0  }
0x2b: {  	s15 =	simm.s32 $0x1;
	v4 =	vadd.s32 s17, v2;
	v3 =	vld.idx.msk [tilespmem:v3+s14+$0x0], $0xffff  }
0x2c: {  	v5 =	vadd.s32 s15, v1;
	_ =	sdelay $0x3  }
0x2d: {  	[tilespmem:v4+s8+$0x0] =	vst.idx.msk $0xffff, v3  }
0x2e: {  	s18 =	simm.s32 $0x2;
	v4 =	vadd.s32 s15, v2;
	v3 =	vld.idx.msk [tilespmem:v5+s14+$0x0], $0xffff  }
0x2f: {  	v5 =	vadd.s32 s18, v1;
	_ =	sdelay $0x3  }
0x30: {  	[tilespmem:v4+s8+$0x0] =	vst.idx.msk $0xffff, v3  }
0x31: {  	s19 =	simm.s32 $0x3;
	v4 =	vadd.s32 s18, v2;
	v3 =	vld.idx.msk [tilespmem:v5+s14+$0x0], $0xffff  }
0x32: {  	v5 =	vadd.s32 s19, v1;
	_ =	sdelay $0x3  }
0x33: {  	[tilespmem:v4+s8+$0x0] =	vst.idx.msk $0xffff, v3  }
0x34: {  	s20 =	simm.s32 $0x4;
	v4 =	vadd.s32 s19, v2;
	v3 =	vld.idx.msk [tilespmem:v5+s14+$0x0], $0xffff  }
0x35: {  	v5 =	vadd.s32 s20, v1;
	_ =	sdelay $0x3  }
0x36: {  	[tilespmem:v4+s8+$0x0] =	vst.idx.msk $0xffff, v3  }
0x37: {  	s21 =	simm.s32 $0x5;
	v4 =	vadd.s32 s20, v2;
	v3 =	vld.idx.msk [tilespmem:v5+s14+$0x0], $0xffff  }
0x38: {  	v5 =	vadd.s32 s21, v1;
	_ =	sdelay $0x3  }
0x39: {  	[tilespmem:v4+s8+$0x0] =	vst.idx.msk $0xffff, v3  }
0x3a: {  	s22 =	simm.s32 $0x6;
	v4 =	vadd.s32 s21, v2;
	v3 =	vld.idx.msk [tilespmem:v5+s14+$0x0], $0xffff  }
0x3b: {  	v5 =	vadd.s32 s22, v1;
	_ =	sdelay $0x3  }
0x3c: {  	[tilespmem:v4+s8+$0x0] =	vst.idx.msk $0xffff, v3  }
0x3d: {  	s23 =	simm.s32 $0x7;
	v4 =	vadd.s32 s22, v2;
	v3 =	vld.idx.msk [tilespmem:v5+s14+$0x0], $0xffff  }
0x3e: {  	v5 =	vadd.s32 s23, v1;
	_ =	sdelay $0x3  }
0x3f: {  	[tilespmem:v4+s8+$0x0] =	vst.idx.msk $0xffff, v3  }
0x40: {  	s24 =	simm.s32 $0x8;
	v4 =	vadd.s32 s23, v2;
	v3 =	vld.idx.msk [tilespmem:v5+s14+$0x0], $0xffff  }
0x41: {  	v5 =	vadd.s32 s24, v1;
	_ =	sdelay $0x3  }
0x42: {  	[tilespmem:v4+s8+$0x0] =	vst.idx.msk $0xffff, v3  }
0x43: {  	s25 =	simm.s32 $0x9;
	v4 =	vadd.s32 s24, v2;
	v3 =	vld.idx.msk [tilespmem:v5+s14+$0x0], $0xffff  }
0x44: {  	v5 =	vadd.s32 s25, v1;
	_ =	sdelay $0x3  }
0x45: {  	[tilespmem:v4+s8+$0x0] =	vst.idx.msk $0xffff, v3  }
0x46: {  	s26 =	simm.s32 $0xA;
	v4 =	vadd.s32 s25, v2;
	v3 =	vld.idx.msk [tilespmem:v5+s14+$0x0], $0xffff  }
0x47: {  	v5 =	vadd.s32 s26, v1;
	_ =	sdelay $0x3  }
0x48: {  	[tilespmem:v4+s8+$0x0] =	vst.idx.msk $0xffff, v3  }
0x49: {  	s28 =	simm.s32 $0xB;
	v4 =	vadd.s32 s26, v2;
	v3 =	vld.idx.msk [tilespmem:v5+s14+$0x0], $0xffff  }
0x4a: {  	v5 =	vadd.s32 s28, v1;
	_ =	sdelay $0x3  }
0x4b: {  	[tilespmem:v4+s8+$0x0] =	vst.idx.msk $0xffff, v3  }
0x4c: {  	s29 =	simm.s32 $0xC;
	v4 =	vadd.s32 s28, v2;
	v3 =	vld.idx.msk [tilespmem:v5+s14+$0x0], $0xffff  }
0x4d: {  	v5 =	vadd.s32 s29, v1;
	_ =	sdelay $0x3  }
0x4e: {  	[tilespmem:v4+s8+$0x0] =	vst.idx.msk $0xffff, v3  }
0x4f: {  	s30 =	simm.s32 $0xD;
	v4 =	vadd.s32 s29, v2;
	v3 =	vld.idx.msk [tilespmem:v5+s14+$0x0], $0xffff  }
0x50: {  	v5 =	vadd.s32 s30, v1;
	_ =	sdelay $0x3  }
0x51: {  	[tilespmem:v4+s8+$0x0] =	vst.idx.msk $0xffff, v3  }
0x52: {  	s31 =	simm.s32 $0xE;
	v4 =	vadd.s32 s30, v2;
	v3 =	vld.idx.msk [tilespmem:v5+s14+$0x0], $0xffff  }
0x53: {  	v5 =	vadd.s32 s31, v1;
	_ =	sdelay $0x3  }
0x54: {  	[tilespmem:v4+s8+$0x0] =	vst.idx.msk $0xffff, v3  }
0x55: {  	v4 =	vadd.s32 s31, v2;
	v3 =	vld.idx.msk [tilespmem:v5+s14+$0x0], $0xffff  }
0x56: {  	p1 =	por $0x0, $0x0;
	v5 =	vadd.s32 s16, v1  }
.Ltmp7:
0x57: {  	_ = 	snop;
	(pc) =	sbr.rel @p1 .LBB2_6-.Ltmp7, $3  }
0x58: {  	_ =	sdelay $0x1  }
0x59: {  	[tilespmem:v4+s8+$0x0] =	vst.idx.msk $0xffff, v3  }
0x5a: {  	p0 =	por $0x1, $0x1;
	s17 =	simm.s32 $0x10;
	s15 =	simm.s32 $0x2F;
	v4 =	vadd.s32 s16, v2;
	v3 =	vld.idx.msk [tilespmem:v5+s14+$0x0], $0xffff  }
.LBB2_7:
0x5b: {  	p1 =	seq.s32 s15, $0x19F;
	v5 =	vadd.s32 s17, v1;
	_ =	sdelay $0x3  }
0x5c: {  	[tilespmem:v4+s8+$0x0] =	vst.idx.msk $0xffff, v3  }
0x5d: {  	v3 =	vld.idx.msk [tilespmem:v5+s14+$0x0], $0xffff  }
0x5e: {  	s16 =	sadd.s32 $0xFFFFFFF2, s13;
	v4 =	vadd.s32 s17, v2  }
0x5f: {  	v5 =	vadd.s32 s16, v1;
	_ =	sdelay $0x3  }
0x60: {  	[tilespmem:v4+s8+$0x0] =	vst.idx.msk $0xffff, v3  }
0x61: {  	v3 =	vld.idx.msk [tilespmem:v5+s14+$0x0], $0xffff  }
0x62: {  	v4 =	vadd.s32 s16, v2;
	s16 =	sadd.s32 $0xFFFFFFF3, s13  }
0x63: {  	v5 =	vadd.s32 s16, v1;
	_ =	sdelay $0x3  }
0x64: {  	[tilespmem:v4+s8+$0x0] =	vst.idx.msk $0xffff, v3  }
0x65: {  	v3 =	vld.idx.msk [tilespmem:v5+s14+$0x0], $0xffff  }
0x66: {  	v4 =	vadd.s32 s16, v2;
	s16 =	sadd.s32 $0xFFFFFFF4, s13  }
0x67: {  	v5 =	vadd.s32 s16, v1;
	_ =	sdelay $0x3  }
0x68: {  	[tilespmem:v4+s8+$0x0] =	vst.idx.msk $0xffff, v3  }
0x69: {  	v3 =	vld.idx.msk [tilespmem:v5+s14+$0x0], $0xffff  }
0x6a: {  	v4 =	vadd.s32 s16, v2;
	s16 =	sadd.s32 $0xFFFFFFF5, s13  }
0x6b: {  	v5 =	vadd.s32 s16, v1;
	_ =	sdelay $0x3  }
0x6c: {  	[tilespmem:v4+s8+$0x0] =	vst.idx.msk $0xffff, v3  }
0x6d: {  	v3 =	vld.idx.msk [tilespmem:v5+s14+$0x0], $0xffff  }
0x6e: {  	v4 =	vadd.s32 s16, v2;
	s16 =	sadd.s32 $0xFFFFFFF6, s13  }
0x6f: {  	v5 =	vadd.s32 s16, v1;
	_ =	sdelay $0x3  }
0x70: {  	[tilespmem:v4+s8+$0x0] =	vst.idx.msk $0xffff, v3  }
0x71: {  	v3 =	vld.idx.msk [tilespmem:v5+s14+$0x0], $0xffff  }
0x72: {  	v4 =	vadd.s32 s16, v2;
	s16 =	sadd.s32 $0xFFFFFFF7, s13  }
0x73: {  	v5 =	vadd.s32 s16, v1;
	_ =	sdelay $0x3  }
0x74: {  	[tilespmem:v4+s8+$0x0] =	vst.idx.msk $0xffff, v3  }
0x75: {  	v3 =	vld.idx.msk [tilespmem:v5+s14+$0x0], $0xffff  }
0x76: {  	v4 =	vadd.s32 s16, v2;
	s16 =	sadd.s32 $0xFFFFFFF8, s13  }
0x77: {  	v5 =	vadd.s32 s16, v1;
	_ =	sdelay $0x3  }
0x78: {  	[tilespmem:v4+s8+$0x0] =	vst.idx.msk $0xffff, v3  }
0x79: {  	v3 =	vld.idx.msk [tilespmem:v5+s14+$0x0], $0xffff  }
0x7a: {  	v4 =	vadd.s32 s16, v2;
	s16 =	sadd.s32 $0xFFFFFFF9, s13  }
0x7b: {  	v5 =	vadd.s32 s16, v1;
	_ =	sdelay $0x3  }
0x7c: {  	[tilespmem:v4+s8+$0x0] =	vst.idx.msk $0xffff, v3  }
0x7d: {  	v3 =	vld.idx.msk [tilespmem:v5+s14+$0x0], $0xffff  }
0x7e: {  	v4 =	vadd.s32 s16, v2;
	s16 =	sadd.s32 $0xFFFFFFFA, s13  }
0x7f: {  	v5 =	vadd.s32 s16, v1;
	_ =	sdelay $0x3  }
0x80: {  	[tilespmem:v4+s8+$0x0] =	vst.idx.msk $0xffff, v3  }
0x81: {  	v3 =	vld.idx.msk [tilespmem:v5+s14+$0x0], $0xffff  }
0x82: {  	v4 =	vadd.s32 s16, v2;
	s16 =	sadd.s32 $0xFFFFFFFB, s13  }
0x83: {  	v5 =	vadd.s32 s16, v1;
	_ =	sdelay $0x3  }
0x84: {  	[tilespmem:v4+s8+$0x0] =	vst.idx.msk $0xffff, v3  }
0x85: {  	v3 =	vld.idx.msk [tilespmem:v5+s14+$0x0], $0xffff  }
0x86: {  	v4 =	vadd.s32 s16, v2;
	s16 =	sadd.s32 $0xFFFFFFFC, s13  }
0x87: {  	v5 =	vadd.s32 s16, v1;
	_ =	sdelay $0x3  }
0x88: {  	[tilespmem:v4+s8+$0x0] =	vst.idx.msk $0xffff, v3  }
0x89: {  	v3 =	vld.idx.msk [tilespmem:v5+s14+$0x0], $0xffff  }
0x8a: {  	v4 =	vadd.s32 s16, v2;
	s16 =	sadd.s32 $0xFFFFFFFD, s13  }
0x8b: {  	v5 =	vadd.s32 s16, v1;
	_ =	sdelay $0x3  }
0x8c: {  	[tilespmem:v4+s8+$0x0] =	vst.idx.msk $0xffff, v3  }
0x8d: {  	v3 =	vld.idx.msk [tilespmem:v5+s14+$0x0], $0xffff  }
0x8e: {  	v4 =	vadd.s32 s16, v2;
	s16 =	sadd.s32 $0xFFFFFFFE, s13  }
0x8f: {  	v5 =	vadd.s32 s16, v1;
	_ =	sdelay $0x3  }
0x90: {  	[tilespmem:v4+s8+$0x0] =	vst.idx.msk $0xffff, v3  }
0x91: {  	v3 =	vld.idx.msk [tilespmem:v5+s14+$0x0], $0xffff  }
0x92: {  	v4 =	vadd.s32 s16, v2;
	s16 =	sadd.s32 $0xFFFFFFFF, s13  }
0x93: {  	v5 =	vadd.s32 s16, v1;
	_ =	sdelay $0x3  }
0x94: {  	[tilespmem:v4+s8+$0x0] =	vst.idx.msk $0xffff, v3  }
0x95: {  	v3 =	vld.idx.msk [tilespmem:v5+s14+$0x0], $0xffff  }
0x96: {  	v4 =	vadd.s32 s16, v2  }
0x97: {  	v5 =	vadd.s32 s13, v1;
	_ =	sdelay $0x1  }
.Ltmp8:
0x98: {  	(pc) =	sbr.rel @!p1 .LBB2_7-.Ltmp8, $4  }
0x99: {  	_ = 	snop  }
0x9a: {  	[tilespmem:v4+s8+$0x0] =	vst.idx.msk $0xffff, v3  }
0x9b: {  	v3 =	vld.idx.msk [tilespmem:v5+s14+$0x0], $0xffff  }
0x9c: {  	s17 =	sadd.s32 $0xFFFFFFF1, s15;
	v4 =	vadd.s32 s13, v2;
	s13 =	smov.u32 s15;
	s15 =	sadd.s32 $0x10, s15  }
0x9d: {  	s16 =	smov.u32 s13  }
.LBB2_9:
0x9e: {  	v5 =	vadd.s32 s17, v1;
	_ =	sdelay $0x3  }
0x9f: {  	s13 =	simm.s32 $0x0;
	[tilespmem:v4+s8+$0x0] =	vst.idx.msk @p0 $0xffff, v3  }
0xa0: {  	v33 =	vadd.s32 s17, v2;
	s14 =	sadd.s32 $0xFFFFFFF2, s16;
	v3 =	vld.idx.msk [tilespmem:v5+s13+$0x0], $0xffff  }
0xa1: {  	v34 =	vadd.s32 s14, v1;
	_ =	sdelay $0x3  }
0xa2: {  	[tilespmem:v33+s8+$0x0] =	vst.idx.msk $0xffff, v3  }
0xa3: {  	s18 =	sadd.s32 $0xFFFFFFF3, s16;
	v35 =	vadd.s32 s14, v2;
	v3 =	vld.idx.msk [tilespmem:v34+s13+$0x0], $0xffff  }
0xa4: {  	v36 =	vadd.s32 s18, v1;
	_ =	sdelay $0x3  }
0xa5: {  	[tilespmem:v35+s8+$0x0] =	vst.idx.msk $0xffff, v3  }
0xa6: {  	s19 =	sadd.s32 $0xFFFFFFF4, s16;
	v37 =	vadd.s32 s18, v2;
	v3 =	vld.idx.msk [tilespmem:v36+s13+$0x0], $0xffff  }
0xa7: {  	v38 =	vadd.s32 s19, v1;
	_ =	sdelay $0x3  }
0xa8: {  	[tilespmem:v37+s8+$0x0] =	vst.idx.msk $0xffff, v3  }
0xa9: {  	s20 =	sadd.s32 $0xFFFFFFF5, s16;
	v39 =	vadd.s32 s19, v2;
	v3 =	vld.idx.msk [tilespmem:v38+s13+$0x0], $0xffff  }
0xaa: {  	v40 =	vadd.s32 s20, v1;
	_ =	sdelay $0x3  }
0xab: {  	[tilespmem:v39+s8+$0x0] =	vst.idx.msk $0xffff, v3  }
0xac: {  	s21 =	sadd.s32 $0xFFFFFFF6, s16;
	v41 =	vadd.s32 s20, v2;
	v3 =	vld.idx.msk [tilespmem:v40+s13+$0x0], $0xffff  }
0xad: {  	v42 =	vadd.s32 s21, v1;
	_ =	sdelay $0x3  }
0xae: {  	[tilespmem:v41+s8+$0x0] =	vst.idx.msk $0xffff, v3  }
0xaf: {  	s22 =	sadd.s32 $0xFFFFFFF7, s16;
	v43 =	vadd.s32 s21, v2;
	v3 =	vld.idx.msk [tilespmem:v42+s13+$0x0], $0xffff  }
0xb0: {  	v44 =	vadd.s32 s22, v1;
	_ =	sdelay $0x3  }
0xb1: {  	[tilespmem:v43+s8+$0x0] =	vst.idx.msk $0xffff, v3  }
0xb2: {  	s23 =	sadd.s32 $0xFFFFFFF8, s16;
	v45 =	vadd.s32 s22, v2;
	v3 =	vld.idx.msk [tilespmem:v44+s13+$0x0], $0xffff  }
0xb3: {  	v46 =	vadd.s32 s23, v1;
	_ =	sdelay $0x3  }
0xb4: {  	[tilespmem:v45+s8+$0x0] =	vst.idx.msk $0xffff, v3  }
0xb5: {  	s24 =	sadd.s32 $0xFFFFFFF9, s16;
	v47 =	vadd.s32 s23, v2;
	v3 =	vld.idx.msk [tilespmem:v46+s13+$0x0], $0xffff  }
0xb6: {  	v48 =	vadd.s32 s24, v1;
	_ =	sdelay $0x3  }
0xb7: {  	[tilespmem:v47+s8+$0x0] =	vst.idx.msk $0xffff, v3  }
0xb8: {  	s25 =	sadd.s32 $0xFFFFFFFA, s16;
	v49 =	vadd.s32 s24, v2;
	v3 =	vld.idx.msk [tilespmem:v48+s13+$0x0], $0xffff  }
0xb9: {  	v50 =	vadd.s32 s25, v1;
	_ =	sdelay $0x3  }
0xba: {  	[tilespmem:v49+s8+$0x0] =	vst.idx.msk $0xffff, v3  }
0xbb: {  	s26 =	sadd.s32 $0xFFFFFFFB, s16;
	v51 =	vadd.s32 s25, v2;
	v3 =	vld.idx.msk [tilespmem:v50+s13+$0x0], $0xffff  }
0xbc: {  	v52 =	vadd.s32 s26, v1;
	_ =	sdelay $0x3  }
0xbd: {  	[tilespmem:v51+s8+$0x0] =	vst.idx.msk $0xffff, v3  }
0xbe: {  	s28 =	sadd.s32 $0xFFFFFFFC, s16;
	v53 =	vadd.s32 s26, v2;
	v3 =	vld.idx.msk [tilespmem:v52+s13+$0x0], $0xffff  }
0xbf: {  	v54 =	vadd.s32 s28, v1;
	_ =	sdelay $0x3  }
0xc0: {  	[tilespmem:v53+s8+$0x0] =	vst.idx.msk $0xffff, v3  }
0xc1: {  	s29 =	sadd.s32 $0xFFFFFFFD, s16;
	v55 =	vadd.s32 s28, v2;
	v3 =	vld.idx.msk [tilespmem:v54+s13+$0x0], $0xffff  }
0xc2: {  	v56 =	vadd.s32 s29, v1;
	_ =	sdelay $0x3  }
0xc3: {  	[tilespmem:v55+s8+$0x0] =	vst.idx.msk $0xffff, v3  }
0xc4: {  	s30 =	sadd.s32 $0xFFFFFFFE, s16;
	v57 =	vadd.s32 s29, v2;
	v3 =	vld.idx.msk [tilespmem:v56+s13+$0x0], $0xffff  }
0xc5: {  	v58 =	vadd.s32 s30, v1;
	_ =	sdelay $0x3  }
0xc6: {  	[tilespmem:v57+s8+$0x0] =	vst.idx.msk $0xffff, v3  }
0xc7: {  	s31 =	sadd.s32 $0xFFFFFFFF, s16;
	v59 =	vadd.s32 s30, v2;
	v3 =	vld.idx.msk [tilespmem:v58+s13+$0x0], $0xffff  }
0xc8: {  	v60 =	vadd.s32 s31, v1;
	_ =	sdelay $0x3  }
0xc9: {  	[tilespmem:v59+s8+$0x0] =	vst.idx.msk $0xffff, v3  }
0xca: {  	v61 =	vadd.s32 s31, v2;
	v3 =	vld.idx.msk [tilespmem:v60+s13+$0x0], $0xffff  }
0xcb: {  	v62 =	vadd.s32 s16, v1;
	_ =	sdelay $0x3  }
0xcc: {  	[tilespmem:v61+s8+$0x0] =	vst.idx.msk $0xffff, v3  }
0xcd: {  	v63 =	vadd.s32 s16, v2;
	v3 =	vld.idx.msk [tilespmem:v62+s13+$0x0], $0xffff;
	_ =	sdelay $0x4  }
0xce: {  	s14 =	simm.s32 $0x10;
	[tilespmem:v63+s8+$0x0] =	vst.idx.msk $0xffff, v3  }
.LBB2_11:
0xcf: {  	s15 =	sshll.u32 s13, $0x4  }
0xd0: {  	v3 =	vadd.s32 s15, v1  }
0xd1: {  	v4 =	vor.u32 $0x1, v3  }
0xd2: {  	v5 =	vor.u32 $0x2, v3  }
0xd3: {  	v6 =	vor.u32 $0x3, v3  }
0xd4: {  	v7 =	vor.u32 $0x4, v3  }
0xd5: {  	v8 =	vor.u32 $0x5, v3;
	v17 =	vld.idx.msk [tilespmem:v3+s4+$0x0], $0xffff  }
0xd6: {  	v18 =	vld.idx.msk [tilespmem:v4+s4+$0x0], $0xffff;
	v4 =	vor.u32 $0x6, v3  }
0xd7: {  	v16 =	vld.idx.msk [tilespmem:v5+s4+$0x0], $0xffff;
	v5 =	vor.u32 $0x7, v3  }
0xd8: {  	v15 =	vld.idx.msk [tilespmem:v6+s4+$0x0], $0xffff;
	v6 =	vor.u32 $0x8, v3  }
0xd9: {  	v14 =	vld.idx.msk [tilespmem:v7+s4+$0x0], $0xffff;
	v7 =	vor.u32 $0x9, v3  }
0xda: {  	v13 =	vld.idx.msk [tilespmem:v8+s4+$0x0], $0xffff;
	v8 =	vor.u32 $0xA, v3  }
0xdb: {  	s30 =	sadd.s32 $0xFFFFFFFF, s13;
	v19 =	vor.u32 $0xE, v3;
	v12 =	vld.idx.msk [tilespmem:v4+s4+$0x0], $0xffff  }
0xdc: {  	s15 =	smul.u32 s13, s30;
	v4 =	vor.u32 $0xB, v3;
	v11 =	vld.idx.msk [tilespmem:v5+s4+$0x0], $0xffff  }
0xdd: {  	v5 =	vor.u32 $0xC, v3;
	v10 =	vld.idx.msk [tilespmem:v6+s4+$0x0], $0xffff  }
0xde: {  	s16 =	sand.u32 $0x8000, s15;
	v6 =	vor.u32 $0xD, v3;
	v9 =	vld.idx.msk [tilespmem:v7+s4+$0x0], $0xffff  }
0xdf: {  	p1 =	seq.s32 s14, $0x190;
	v20 =	vor.u32 $0xF, v3;
	s16 =	sshrl.u32 s16, $0xF;
	v7 =	vld.idx.msk [tilespmem:v8+s4+$0x0], $0xffff  }
.Ltmp9:
0xe0: {  	s15 =	sadd.s32 s16, s15;
	v3 =	vld.idx.msk [tilespmem:v19+s4+$0x0], $0xffff;
	(pc) =	sbr.rel @p1 .LBB2_12-.Ltmp9, $4  }
0xe1: {  	s31 =	smul.u32 $0x18, s13;
	s15 =	sshll.u32 s15, $0x10;
	v8 =	vld.idx.msk [tilespmem:v4+s4+$0x0], $0xffff  }
0xe2: {  	s15 =	sshra.s32 s15, $0x11;
	v5 =	vld.idx.msk [tilespmem:v5+s4+$0x0], $0xffff  }
0xe3: {  	p0 =	por $0x0, $0x0;
	s15 =	ssub.s32 s31, s15;
	v6 =	vld.idx.msk [tilespmem:v6+s4+$0x0], $0xffff  }
0xe4: {  	s13 =	sadd.s32 $0x1, s13;
	s15 =	sadd.s32 $0x19F, s15;
	v19 =	vadd.s32 s14, v1;
	s14 =	sadd.s32 $0x10, s14;
	v4 =	vld.idx.msk [tilespmem:v20+s4+$0x0], $0xffff  }
0xe5: {  	v20 =	vor.u32 $0x1, v19;
	_ =	sdelay $0x1  }
0xe6: {  	v21 =	vor.u32 $0x2, v19;
	_ =	sdelay $0x1  }
0xe7: {  	v22 =	vld.idx.msk [tilespmem:v19+s4+$0x0], $0xffff;
	v23 =	vor.u32 $0x3, v19  }
0xe8: {  	v20 =	vld.idx.msk [tilespmem:v20+s4+$0x0], $0xffff  }
0xe9: {  	v24 =	vor.u32 $0x4, v19  }
0xea: {  	v21 =	vld.idx.msk [tilespmem:v21+s4+$0x0], $0xffff  }
0xeb: {  	v25 =	vor.u32 $0x5, v19  }
0xec: {  	v23 =	vld.idx.msk [tilespmem:v23+s4+$0x0], $0xffff  }
0xed: {  	v26 =	vor.u32 $0x6, v19;
	v22 =	vmul.f32 v22, v17;
	v20 =	vmul.f32 v20, v18  }
0xee: {  	v24 =	vld.idx.msk [tilespmem:v24+s4+$0x0], $0xffff  }
0xef: {  	v27 =	vor.u32 $0x7, v19;
	v21 =	vmul.f32 v21, v16;
	v20 =	vadd.f32 v20, v22  }
0xf0: {  	v22 =	vld.idx.msk [tilespmem:v25+s4+$0x0], $0xffff  }
0xf1: {  	v54 =	vor.u32 $0x8, v19;
	v20 =	vadd.f32 v21, v20;
	v21 =	vmul.f32 v23, v15  }
0xf2: {  	v23 =	vld.idx.msk [tilespmem:v26+s4+$0x0], $0xffff  }
0xf3: {  	v55 =	vor.u32 $0x9, v19;
	v20 =	vadd.f32 v21, v20;
	v21 =	vmul.f32 v24, v14  }
0xf4: {  	v56 =	vld.idx.msk [tilespmem:v27+s4+$0x0], $0xffff  }
0xf5: {  	v57 =	vor.u32 $0xA, v19;
	v20 =	vadd.f32 v21, v20;
	v21 =	vmul.f32 v22, v13  }
0xf6: {  	v22 =	vld.idx.msk [tilespmem:v54+s4+$0x0], $0xffff  }
0xf7: {  	v58 =	vor.u32 $0xB, v19;
	v20 =	vadd.f32 v21, v20;
	v21 =	vmul.f32 v23, v12  }
0xf8: {  	v23 =	vld.idx.msk [tilespmem:v55+s4+$0x0], $0xffff  }
0xf9: {  	v59 =	vor.u32 $0xC, v19;
	v20 =	vadd.f32 v21, v20;
	v21 =	vmul.f32 v56, v11  }
0xfa: {  	v60 =	vld.idx.msk [tilespmem:v57+s4+$0x0], $0xffff  }
0xfb: {  	v61 =	vor.u32 $0xD, v19;
	v20 =	vadd.f32 v21, v20;
	v21 =	vmul.f32 v22, v10  }
0xfc: {  	v22 =	vld.idx.msk [tilespmem:v58+s4+$0x0], $0xffff  }
0xfd: {  	v62 =	vor.u32 $0xE, v19;
	v20 =	vadd.f32 v21, v20;
	v21 =	vmul.f32 v23, v9  }
0xfe: {  	v23 =	vld.idx.msk [tilespmem:v59+s4+$0x0], $0xffff  }
0xff: {  	v19 =	vor.u32 $0xF, v19;
	v20 =	vadd.f32 v21, v20;
	v21 =	vmul.f32 v60, v7  }
0x100: {  	v63 =	vld.idx.msk [tilespmem:v61+s4+$0x0], $0xffff  }
0x101: {  	v20 =	vadd.f32 v21, v20;
	v21 =	vmul.f32 v22, v8  }
0x102: {  	v22 =	vld.idx.msk [tilespmem:v62+s4+$0x0], $0xffff  }
0x103: {  	v20 =	vadd.f32 v21, v20;
	v21 =	vmul.f32 v23, v5  }
0x104: {  	p1 =	seq.s32 s14, $0x190;
	v23 =	vld.idx.msk [tilespmem:v19+s4+$0x0], $0xffff  }
.Ltmp10:
0x105: {  	v19 =	vadd.f32 v21, v20;
	v20 =	vmul.f32 v63, v6;
	(pc) =	sbr.rel @p1 .LBB2_14-.Ltmp10, $4  }
0x106: {  	_ = 	snop  }
0x107: {  	s16 =	sadd.s32 s15, s13;
	v22 =	vmul.f32 v22, v3;
	v21 =	vadd.f32 v20, v19  }
0x108: {  	v20 =	vadd.s32 s16, v2  }
0x109: {  	s17 =	sadd.s32 $0x10, s14;
	p0 =	por $0x1, $0x1;
	v19 =	vadd.s32 s14, v1;
	s16 =	smov.u32 s13;
	v21 =	vadd.f32 v22, v21;
	v22 =	vmul.f32 v23, v4  }
.LBB2_15:
0x10a: {  	p1 =	seq.s32 s17, $0x190;
	v23 =	vor.u32 $0x1, v19  }
0x10b: {  	v21 =	vadd.f32 v22, v21  }
0x10c: {  	v22 =	vor.u32 $0x2, v19  }
0x10d: {  	[tilespmem:v20+s8+$0x0] =	vst.idx.msk $0xffff, v21  }
0x10e: {  	v21 =	vor.u32 $0x3, v19;
	v20 =	vld.idx.msk [tilespmem:v19+s4+$0x0], $0xffff  }
0x10f: {  	v23 =	vld.idx.msk [tilespmem:v23+s4+$0x0], $0xffff  }
0x110: {  	v24 =	vor.u32 $0x4, v19  }
0x111: {  	v22 =	vld.idx.msk [tilespmem:v22+s4+$0x0], $0xffff  }
0x112: {  	v25 =	vor.u32 $0x5, v19  }
0x113: {  	v21 =	vld.idx.msk [tilespmem:v21+s4+$0x0], $0xffff  }
0x114: {  	v26 =	vor.u32 $0x6, v19  }
0x115: {  	v20 =	vmul.f32 v20, v17;
	v23 =	vmul.f32 v23, v18;
	v24 =	vld.idx.msk [tilespmem:v24+s4+$0x0], $0xffff  }
0x116: {  	v27 =	vor.u32 $0x7, v19  }
0x117: {  	v20 =	vadd.f32 v23, v20;
	v22 =	vmul.f32 v22, v16;
	v23 =	vld.idx.msk [tilespmem:v25+s4+$0x0], $0xffff  }
0x118: {  	v25 =	vor.u32 $0x8, v19  }
0x119: {  	v20 =	vadd.f32 v22, v20;
	v21 =	vmul.f32 v21, v15;
	v22 =	vld.idx.msk [tilespmem:v26+s4+$0x0], $0xffff  }
0x11a: {  	v26 =	vor.u32 $0x9, v19  }
0x11b: {  	v20 =	vadd.f32 v21, v20;
	v21 =	vmul.f32 v24, v14;
	v24 =	vld.idx.msk [tilespmem:v27+s4+$0x0], $0xffff  }
0x11c: {  	v27 =	vor.u32 $0xA, v19  }
0x11d: {  	v20 =	vadd.f32 v21, v20;
	v21 =	vmul.f32 v23, v13;
	v23 =	vld.idx.msk [tilespmem:v25+s4+$0x0], $0xffff  }
0x11e: {  	v25 =	vor.u32 $0xB, v19  }
0x11f: {  	v20 =	vadd.f32 v21, v20;
	v21 =	vmul.f32 v22, v12;
	v22 =	vld.idx.msk [tilespmem:v26+s4+$0x0], $0xffff  }
0x120: {  	v26 =	vor.u32 $0xC, v19  }
0x121: {  	v20 =	vadd.f32 v21, v20;
	v21 =	vmul.f32 v24, v11;
	v24 =	vld.idx.msk [tilespmem:v27+s4+$0x0], $0xffff  }
0x122: {  	v27 =	vor.u32 $0xD, v19  }
0x123: {  	v20 =	vadd.f32 v21, v20;
	v21 =	vmul.f32 v23, v10;
	v23 =	vld.idx.msk [tilespmem:v25+s4+$0x0], $0xffff  }
0x124: {  	v25 =	vor.u32 $0xE, v19  }
0x125: {  	v20 =	vadd.f32 v21, v20;
	v21 =	vmul.f32 v22, v9;
	v22 =	vld.idx.msk [tilespmem:v26+s4+$0x0], $0xffff  }
0x126: {  	v19 =	vor.u32 $0xF, v19  }
0x127: {  	v20 =	vadd.f32 v21, v20;
	v21 =	vmul.f32 v24, v7;
	v24 =	vld.idx.msk [tilespmem:v27+s4+$0x0], $0xffff;
	_ =	sdelay $0x1  }
0x128: {  	v20 =	vadd.f32 v21, v20;
	v21 =	vmul.f32 v23, v8;
	v23 =	vld.idx.msk [tilespmem:v25+s4+$0x0], $0xffff;
	_ =	sdelay $0x1  }
0x129: {  	v20 =	vadd.f32 v21, v20;
	v21 =	vmul.f32 v22, v5;
	v22 =	vld.idx.msk [tilespmem:v19+s4+$0x0], $0xffff;
	_ =	sdelay $0x1  }
.Ltmp11:
0x12a: {  	v19 =	vadd.f32 v21, v20;
	v20 =	vmul.f32 v24, v6;
	(pc) =	sbr.rel @!p1 .LBB2_15-.Ltmp11, $4  }
0x12b: {  	s16 =	sadd.s32 $0x1, s16  }
0x12c: {  	s18 =	sadd.s32 s15, s16;
	v21 =	vadd.f32 v20, v19;
	v23 =	vmul.f32 v23, v3  }
0x12d: {  	v20 =	vadd.s32 s18, v2  }
0x12e: {  	v19 =	vadd.s32 s17, v1;
	s17 =	sadd.s32 $0x10, s17;
	v21 =	vadd.f32 v23, v21;
	v22 =	vmul.f32 v22, v4  }
.LBB2_16:
0x12f: {  	_ = 	snop  }
0x130: {  	v23 =	vor.u32 $0x1, v19  }
0x131: {  	v21 =	vadd.f32 @p0 v22, v21  }
0x132: {  	v40 =	vor.u32 $0x2, v19  }
0x133: {  	[tilespmem:v20+s8+$0x0] =	vst.idx.msk @p0 $0xffff, v21  }
0x134: {  	v41 =	vor.u32 $0x3, v19;
	v20 =	vld.idx.msk [tilespmem:v19+s4+$0x0], $0xffff  }
0x135: {  	v23 =	vld.idx.msk [tilespmem:v23+s4+$0x0], $0xffff  }
0x136: {  	v24 =	vor.u32 $0x4, v19  }
0x137: {  	v22 =	vld.idx.msk [tilespmem:v40+s4+$0x0], $0xffff  }
0x138: {  	v25 =	vor.u32 $0x5, v19  }
0x139: {  	v21 =	vld.idx.msk [tilespmem:v41+s4+$0x0], $0xffff  }
0x13a: {  	v26 =	vor.u32 $0x6, v19;
	v17 =	vmul.f32 v20, v17;
	v18 =	vmul.f32 v23, v18  }
0x13b: {  	v42 =	vld.idx.msk [tilespmem:v24+s4+$0x0], $0xffff  }
0x13c: {  	v43 =	vor.u32 $0x7, v19;
	v16 =	vmul.f32 v22, v16;
	v17 =	vadd.f32 v18, v17  }
0x13d: {  	v44 =	vld.idx.msk [tilespmem:v25+s4+$0x0], $0xffff  }
0x13e: {  	v45 =	vor.u32 $0x8, v19;
	v15 =	vmul.f32 v21, v15;
	v16 =	vadd.f32 v16, v17  }
0x13f: {  	v46 =	vld.idx.msk [tilespmem:v26+s4+$0x0], $0xffff  }
0x140: {  	v47 =	vor.u32 $0x9, v19;
	v14 =	vmul.f32 v42, v14;
	v15 =	vadd.f32 v15, v16  }
0x141: {  	v48 =	vld.idx.msk [tilespmem:v43+s4+$0x0], $0xffff  }
0x142: {  	v49 =	vor.u32 $0xA, v19;
	v13 =	vmul.f32 v44, v13;
	v14 =	vadd.f32 v14, v15  }
0x143: {  	v50 =	vld.idx.msk [tilespmem:v45+s4+$0x0], $0xffff  }
0x144: {  	v51 =	vor.u32 $0xB, v19;
	v12 =	vmul.f32 v46, v12;
	v13 =	vadd.f32 v13, v14  }
0x145: {  	v52 =	vld.idx.msk [tilespmem:v47+s4+$0x0], $0xffff  }
0x146: {  	v53 =	vor.u32 $0xC, v19;
	v11 =	vmul.f32 v48, v11;
	v12 =	vadd.f32 v12, v13  }
0x147: {  	v54 =	vld.idx.msk [tilespmem:v49+s4+$0x0], $0xffff  }
0x148: {  	v55 =	vor.u32 $0xD, v19;
	v10 =	vmul.f32 v50, v10;
	v11 =	vadd.f32 v11, v12  }
0x149: {  	v56 =	vld.idx.msk [tilespmem:v51+s4+$0x0], $0xffff  }
0x14a: {  	v57 =	vor.u32 $0xE, v19;
	v9 =	vmul.f32 v52, v9;
	v10 =	vadd.f32 v10, v11  }
0x14b: {  	v58 =	vld.idx.msk [tilespmem:v53+s4+$0x0], $0xffff  }
0x14c: {  	v59 =	vor.u32 $0xF, v19;
	v7 =	vmul.f32 v54, v7;
	v9 =	vadd.f32 v9, v10  }
0x14d: {  	v60 =	vld.idx.msk [tilespmem:v55+s4+$0x0], $0xffff  }
0x14e: {  	v8 =	vmul.f32 v56, v8;
	v7 =	vadd.f32 v7, v9  }
0x14f: {  	v61 =	vld.idx.msk [tilespmem:v57+s4+$0x0], $0xffff  }
0x150: {  	v5 =	vmul.f32 v58, v5;
	v7 =	vadd.f32 v8, v7  }
0x151: {  	v62 =	vld.idx.msk [tilespmem:v59+s4+$0x0], $0xffff  }
0x152: {  	s16 =	sadd.s32 @p0 $0x1, s16;
	s17 =	smov.u32 s13;
	v6 =	vmul.f32 v60, v6;
	v5 =	vadd.f32 v5, v7  }
0x153: {  	s17 =	smov.u32 @p0 s16  }
0x154: {  	s15 =	sadd.s32 s15, s17;
	v3 =	vmul.f32 v61, v3;
	v5 =	vadd.f32 v6, v5  }
0x155: {  	v63 =	vadd.s32 s15, v2  }
0x156: {  	v4 =	vmul.f32 v62, v4;
	v3 =	vadd.f32 v3, v5;
	_ =	sdelay $0x1  }
0x157: {  	v3 =	vadd.f32 v4, v3;
	_ =	sdelay $0x1  }
0x158: {  	[tilespmem:v63+s8+$0x0] =	vst.idx.msk $0xffff, v3  }
0x159: {  	p0 =	seq.s32 s13, $0x19  }
.Ltmp12:
0x15a: {  	_ = 	snop;
	(pc) =	sbr.rel @!p0 .LBB2_11-.Ltmp12, $4  }
.Ltmp13:
0x15b: {  	_ = 	snop;
	(pc) =	sbr.rel @p0 .LBB2_17-.Ltmp13, $4  }
0x15c: {  	_ = 	snop  }
0x15d: {  	_ = 	snop  }
0x15e: {  	_ = 	snop  }
0x15f: {  	_ = 	snop  }
.LBB2_12:
.Ltmp14:
0x160: {  	(pc) =	sbr.rel .LBB2_16-.Ltmp14, $2  }
0x161: {  	_ =	sdelay $0x2  }
0x162: {  	s16 =	smov.u32 s13  }
.LBB2_14:
.Ltmp15:
0x163: {  	(pc) =	sbr.rel .LBB2_16-.Ltmp15, $2  }
0x164: {  	_ =	sdelay $0x2  }
0x165: {  	s16 =	smov.u32 s13  }
.LBB2_4:
.Ltmp16:
0x166: {  	(pc) =	sbr.rel .LBB2_9-.Ltmp16, $2  }
0x167: {  	_ =	sdelay $0x2  }
0x168: {  	_ = 	snop  }
.LBB2_6:
.Ltmp17:
0x169: {  	(pc) =	sbr.rel .LBB2_9-.Ltmp17, $2  }
0x16a: {  	_ =	sdelay $0x2  }
0x16b: {  	s16 =	simm.s32 $0x1F  }
.LBB2_20:
0x16c: {  	_ =	sfence.sel $0x180000  }
0x16d: {  	[bflag:$0x0] =	sbarrier.arrive $0xFFFF  }
0x16e: {  	p0 =	sne.s32 s3, $0x0;
	_ =	strace $0x90000047  }
0x16f: {  	s0 =	sadd.s32 @!p0 $0x100000, s0;
	[bflag:$0x2] =	sbarrier.arrive $0xFFFF  }
0x170: {  	[sflag:s0] =	ssyncadd.tile.s32 @!p0 $0x1;
	_ =	shalt  }
.Lfunc_end2:
_tile_overlayer_lowered:
.L_overlay_start_2:
0x171: {  	(tag) =	ssettag $0x2  }
0x172: {  	s0 =	rddreg [dreg:$0x0];
	s2 =	stileid.u32  }
0x173: {  	s1 =	rddreg [dreg:$0x1];
	p0 =	sne.s32 s2, $0x0  }
0x174: {  	s3 =	rddreg [dreg:$0x2];
	[bflag:$0x3] =	sbarrier.arrive $0xFFFF;
	s2 =	simm.s32 @!p0 $0x1C01  }
0x175: {  	[timem:s3], [sflag:s2] =	dma.local @!p0 [hbm:s0], s1  }
0x176: {  	s0 =	simm.s32 @!p0 $0x1  }
0x177: {  	_ =	swait.ge @!p0 [sflag:s0], s1  }
0x178: {  	s1 =	ssub.s32 @!p0 $0x0, s1;
	[sflag:s0] =	ssyncset.done @!p0 $0x0  }
0x179: {  	[sflag:s0] =	ssyncadd.s32 @!p0 s1  }
0x17a: {  	[bflag:$0x3] =	sbarrier.arrive $0xFFFF  }
0x17b: {  	_ =	shalt  }

</sc_bundles>
